<compile_context>
chip_gen: v7x
topology: tpu7x:2x2x1
jax: 0.10.2.dev20260603
libtpu: 0.0.44.dev20260713+nightly
codegen_flags: <defaults>
</compile_context>

<pallas_src>
import math

import jax
import jax.numpy as jnp
from jax import lax
from jax.experimental import pallas as pl
from jax.experimental.pallas import tpu as pltpu
from jax.experimental.pallas import tpu_sc as plsc


def _tc_body(ep_ref, q_ref, wq_ref, bq_ref, wk_ref, bk_ref, wv_ref, bv_ref,
             retrieved_ref, weights_ref, usage_ref,
             wh_buf, tail_buf, ret_buf, usage_buf, *sems, m_total):
    b, d = ep_ref.shape
    n_tail = m_total - b
    nq = [0]

    copies = []

    def start(src, dst):
        c = pltpu.make_async_copy(src, dst, sems[nq[0] % len(sems)])
        nq[0] += 1
        c.start()
        copies.append(c)

    ep = ep_ref[...]
    q = jnp.dot(q_ref[...], wq_ref[...].T,
                preferred_element_type=jnp.float32) + bq_ref[...]
    kh = jnp.dot(ep, wk_ref[...].T,
                 preferred_element_type=jnp.float32) + bk_ref[...]
    vh = jnp.dot(ep, wv_ref[...].T,
                 preferred_element_type=jnp.float32) + bv_ref[...]
    inv = 1.0 / math.sqrt(d)
    s = jnp.dot(q, kh.T, preferred_element_type=jnp.float32) * inv
    st = jnp.dot(q, bk_ref[...].T,
                 preferred_element_type=jnp.float32) * inv
    m = jnp.maximum(jnp.max(s, axis=1, keepdims=True), st)
    eh = jnp.exp(s - m)
    et = jnp.exp(st - m)
    z = jnp.sum(eh, axis=1, keepdims=True) + n_tail * et
    wh = eh / z
    wt = et / z

    wh_buf[...] = wh
    start(wh_buf, weights_ref.at[:, pl.ds(0, b)])
    tail_buf[...] = jnp.broadcast_to(wt, (b, b))
    for j in range(1, m_total // b):
        start(tail_buf, weights_ref.at[:, pl.ds(j * b, b)])

    ret_buf[...] = (jnp.dot(wh, vh, preferred_element_type=jnp.float32)
                    + (n_tail * wt) * bv_ref[...])
    start(ret_buf, retrieved_ref)

    usage_buf[...] = jnp.full((1, m_total), jnp.sum(wt), jnp.float32)
    usage_buf[:, pl.ds(0, b)] = 1.0 + jnp.sum(wh, axis=0, keepdims=True)
    start(usage_buf, usage_ref)

    for c in copies:
        c.wait()


def _sc_body(ep_hbm, memin_hbm, memout_hbm, age_hbm, row_buf, age_buf,
             *, m_total, b, nw):
    rows = m_total // nw
    half = row_buf.shape[0]
    wid = lax.axis_index("s") * 2 + lax.axis_index("c")
    base = wid * rows

    for h in range(rows // half):
        r0 = base + h * half

        @pl.when(wid == 0)
        def _w0(h=h):
            r0 = h * half
            if r0 < b:
                pltpu.sync_copy(ep_hbm.at[pl.ds(r0, half), :], row_buf)
            else:
                pltpu.sync_copy(memin_hbm.at[pl.ds(r0, half), :], row_buf)
            pltpu.sync_copy(row_buf, memout_hbm.at[pl.ds(r0, half), :])

        @pl.when(wid != 0)
        def _wn(r0=r0):
            pltpu.sync_copy(memin_hbm.at[pl.ds(r0, half), :], row_buf)
            pltpu.sync_copy(row_buf, memout_hbm.at[pl.ds(r0, half), :])

    ones16 = jnp.ones((16,), jnp.float32)

    def _fill(i, _):
        age_buf[pl.ds(i * 16, 16)] = ones16
        return 0

    lax.fori_loop(0, rows // 16, _fill, 0)

    @pl.when(wid * rows < b)
    def _zero_head():
        zeros16 = jnp.zeros((16,), jnp.float32)

        def _zfill(i, _):
            age_buf[pl.ds(i * 16, 16)] = zeros16
            return 0

        lax.fori_loop(0, min(rows, b) // 16, _zfill, 0)

    pltpu.sync_copy(age_buf, age_hbm.at[pl.ds(wid * rows, rows)])


def kernel(episode, query, memory, memory_age, memory_usage,
           Wq, bq, Wk, bk, Wv, bv):
    b, d = episode.shape
    m_total = memory.shape[0]

    bq2 = bq.reshape(1, d)
    bk2 = bk.reshape(1, d)
    bv2 = bv.reshape(1, d)

    info = plsc.get_sparse_core_info()
    nw = info.num_cores * info.num_subcores
    mesh = plsc.VectorSubcoreMesh(core_axis_name="c", subcore_axis_name="s")
    sc = pl.kernel(
        lambda *refs: _sc_body(*refs, m_total=m_total, b=b, nw=nw),
        out_type=[
            jax.ShapeDtypeStruct((m_total, d), jnp.float32),
            jax.ShapeDtypeStruct((m_total,), jnp.float32),
        ],
        mesh=mesh,
        scratch_types=[
            pltpu.VMEM((m_total // nw // 4, d), jnp.float32),
            pltpu.VMEM((m_total // nw,), jnp.float32),
        ],
    )
    mem_out, age_out = sc(episode, memory)

    vmem = lambda: pl.BlockSpec(memory_space=pltpu.MemorySpace.VMEM)
    hbm = lambda: pl.BlockSpec(memory_space=pl.ANY)
    retrieved, weights, usage2 = pl.pallas_call(
        lambda *refs: _tc_body(*refs, m_total=m_total),
        in_specs=[vmem() for _ in range(8)],
        out_specs=[hbm() for _ in range(3)],
        out_shape=[
            jax.ShapeDtypeStruct((b, d), jnp.float32),
            jax.ShapeDtypeStruct((b, m_total), jnp.float32),
            jax.ShapeDtypeStruct((1, m_total), jnp.float32),
        ],
        scratch_shapes=[
            pltpu.VMEM((b, b), jnp.float32),
            pltpu.VMEM((b, b), jnp.float32),
            pltpu.VMEM((b, d), jnp.float32),
            pltpu.VMEM((1, m_total), jnp.float32),
            pltpu.SemaphoreType.DMA,
        ],
    )(episode, query, Wq, bq2, Wk, bk2, Wv, bv2)

    return (retrieved, weights, mem_out,
            age_out, usage2.reshape(m_total))

# --- scband reference (transcript-rebuilt; emitter-appended) ---
"""Pipeline reference for scband-episodic-memory-48069273976850 (READ-ONLY COPY).

The authoritative reference and input builder live on the scoring server;
editing this copy changes nothing except your own understanding.
"""

import math
import jax, jax.numpy as jnp
import numpy as np

M = 65536
D = 64
B = 1024


def setup_inputs(seed: int = 0) -> dict:
    key = jax.random.key(seed)
    ks = jax.random.split(key, 8)
    s = 1.0 / math.sqrt(D)
    return {
        "episode": jax.random.normal(ks[0], (B, D), dtype=jnp.float32),
        "query": jax.random.normal(ks[1], (B, D), dtype=jnp.float32),
        "memory": jnp.zeros((M, D), dtype=jnp.float32),
        "memory_age": jnp.zeros((M,), dtype=jnp.float32),
        "memory_usage": jnp.zeros((M,), dtype=jnp.float32),
        "Wq": jax.random.uniform(ks[2], (D, D), dtype=jnp.float32, minval=-s, maxval=s),
        "bq": jax.random.uniform(ks[3], (D,), dtype=jnp.float32, minval=-s, maxval=s),
        "Wk": jax.random.uniform(ks[4], (D, D), dtype=jnp.float32, minval=-s, maxval=s),
        "bk": jax.random.uniform(ks[5], (D,), dtype=jnp.float32, minval=-s, maxval=s),
        "Wv": jax.random.uniform(ks[6], (D, D), dtype=jnp.float32, minval=-s, maxval=s),
        "bv": jax.random.uniform(ks[7], (D,), dtype=jnp.float32, minval=-s, maxval=s),
    }


def reference(episode, query, memory, memory_age, memory_usage, Wq, bq, Wk, bk, Wv, bv):
    # --- write_memory (no_grad in torch): LRU scatter-overwrite ---
    b = episode.shape[0]
    memory_age = memory_age + 1.0
    _, lru_indices = jax.lax.top_k(memory_age, b)
    memory = memory.at[lru_indices].set(episode)
    memory_age = memory_age.at[lru_indices].set(0.0)
    memory_usage = memory_usage.at[lru_indices].add(1.0)
    # --- read_memory: content-based attention over memory bank ---
    q = query @ Wq.T + bq
    k = memory @ Wk.T + bk
    v = memory @ Wv.T + bv
    attention_scores = (q @ k.T) / math.sqrt(D)
    attention_weights = jax.nn.softmax(attention_scores, axis=-1)
    retrieved = attention_weights @ v
    memory_usage = memory_usage + jnp.sum(attention_weights, axis=0)
    return retrieved, attention_weights, memory, memory_age, memory_usage

if __name__ == "__main__":
    import jax
    _d = setup_inputs()
    print(jax.jit(kernel)(*tuple(_d.values())))

</pallas_src>

<mosaic_0001>
#map = affine_map<(d0, d1) -> (0, 0)>
#map1 = affine_map<(d0, d1) -> (0)>
module attributes {stable_mosaic.version = 14 : i64} {
  func.func @_lambda_(%arg0: i32, %arg1: i32, %arg2: memref<1024x64xf32, #tpu.memory_space<hbm>>, %arg3: memref<65536x64xf32, #tpu.memory_space<hbm>>, %arg4: memref<65536x64xf32, #tpu.memory_space<hbm>>, %arg5: memref<65536xf32, #tpu.memory_space<hbm>>, %arg6: memref<512x64xf32, #tpu.memory_space<vmem>>, %arg7: memref<2048xf32, #tpu.memory_space<vmem>>) attributes {dimension_semantics = [#tpu.dimension_semantics<core_parallel>, #tpu.dimension_semantics<subcore_parallel>], iteration_bounds = array<i64: 2, 16>, scalar_prefetch = 0 : i64, scratch_operands = 2 : i64, tpu.core_type = #tpu.core_type<sc_vector_subcore>, window_params = [{transform_indices = #map}, {transform_indices = #map}, {transform_indices = #map}, {transform_indices = #map1}]} {
    %mul3A = arith.constant 2 : i32
    %mul3A_0 = arith.muli %arg1, %mul3A : i32
    %add3A = arith.addi %mul3A_0, %arg0 : i32
    %mul3A_1 = arith.constant 2048 : i32
    %mul3A_2 = arith.muli %add3A, %mul3A_1 : i32
    %add3A_3 = arith.constant 0 : i32
    %add3A_4 = arith.addi %mul3A_2, %add3A_3 : i32
    %eq3A = arith.constant 0 : i32
    %eq3A_5 = arith.cmpi eq, %add3A, %eq3A : i32
    %convert_element_type3A = arith.extui %eq3A_5 : i1 to i32
    %cond3A = arith.constant 0 : i32
    %cond3A_6 = arith.cmpi ne, %convert_element_type3A, %cond3A : i32
    scf.if %cond3A_6 {
      "tpu.region"() ({
        %run_scoped3A = tpu.sem_alloc : memref<!tpu.dma_semaphore, #tpu.memory_space<semaphore_mem>>
        %dma_start3A = arith.constant 0 : i32
        %dma_start3A_62 = arith.constant 0 : i32
        %dma_start3A_63 = tpu.memref_slice %arg2[%dma_start3A, %dma_start3A_62] : memref<1024x64xf32, #tpu.memory_space<hbm>> -> memref<512x64xf32, #tpu.memory_space<hbm>>
        %dma_start3A_64 = arith.constant 0 : i32
        %dma_start3A_65 = arith.constant 0 : i32
        %dma_start3A_66 = tpu.memref_slice %arg2[%dma_start3A_64, %dma_start3A_65] : memref<1024x64xf32, #tpu.memory_space<hbm>> -> memref<512x64xf32, #tpu.memory_space<hbm>>
        tpu.enqueue_dma source(%dma_start3A_66 : memref<512x64xf32, #tpu.memory_space<hbm>>) target(%arg6 : memref<512x64xf32, #tpu.memory_space<vmem>>) target_semaphore(%run_scoped3A : memref<!tpu.dma_semaphore, #tpu.memory_space<semaphore_mem>>)
        %dma_wait3A = arith.constant 0 : i32
        %dma_wait3A_67 = arith.constant 0 : i32
        %dma_wait3A_68 = tpu.memref_slice %arg2[%dma_wait3A, %dma_wait3A_67] : memref<1024x64xf32, #tpu.memory_space<hbm>> -> memref<512x64xf32, #tpu.memory_space<hbm>>
        %dma_wait3A_69 = arith.constant 0 : i32
        %dma_wait3A_70 = arith.constant 0 : i32
        %dma_wait3A_71 = tpu.memref_slice %arg2[%dma_wait3A_69, %dma_wait3A_70] : memref<1024x64xf32, #tpu.memory_space<hbm>> -> memref<512x64xf32, #tpu.memory_space<hbm>>
        tpu.wait_dma2 semaphore(%run_scoped3A : memref<!tpu.dma_semaphore, #tpu.memory_space<semaphore_mem>>) src(%dma_wait3A_71 : memref<512x64xf32, #tpu.memory_space<hbm>>) dst(%arg6 : memref<512x64xf32, #tpu.memory_space<vmem>>)
        tpu.yield
      }) : () -> ()
      "tpu.region"() ({
        %run_scoped3A = tpu.sem_alloc : memref<!tpu.dma_semaphore, #tpu.memory_space<semaphore_mem>>
        %dma_start3A = arith.constant 0 : i32
        %dma_start3A_62 = arith.constant 0 : i32
        %dma_start3A_63 = tpu.memref_slice %arg4[%dma_start3A, %dma_start3A_62] : memref<65536x64xf32, #tpu.memory_space<hbm>> -> memref<512x64xf32, #tpu.memory_space<hbm>>
        %dma_start3A_64 = arith.constant 0 : i32
        %dma_start3A_65 = arith.constant 0 : i32
        %dma_start3A_66 = tpu.memref_slice %arg4[%dma_start3A_64, %dma_start3A_65] : memref<65536x64xf32, #tpu.memory_space<hbm>> -> memref<512x64xf32, #tpu.memory_space<hbm>>
        tpu.enqueue_dma source(%arg6 : memref<512x64xf32, #tpu.memory_space<vmem>>) target(%dma_start3A_66 : memref<512x64xf32, #tpu.memory_space<hbm>>) target_semaphore(%run_scoped3A : memref<!tpu.dma_semaphore, #tpu.memory_space<semaphore_mem>>)
        %dma_wait3A = arith.constant 0 : i32
        %dma_wait3A_67 = arith.constant 0 : i32
        %dma_wait3A_68 = tpu.memref_slice %arg4[%dma_wait3A, %dma_wait3A_67] : memref<65536x64xf32, #tpu.memory_space<hbm>> -> memref<512x64xf32, #tpu.memory_space<hbm>>
        %dma_wait3A_69 = arith.constant 0 : i32
        %dma_wait3A_70 = arith.constant 0 : i32
        %dma_wait3A_71 = tpu.memref_slice %arg4[%dma_wait3A_69, %dma_wait3A_70] : memref<65536x64xf32, #tpu.memory_space<hbm>> -> memref<512x64xf32, #tpu.memory_space<hbm>>
        tpu.wait_dma2 semaphore(%run_scoped3A : memref<!tpu.dma_semaphore, #tpu.memory_space<semaphore_mem>>) src(%arg6 : memref<512x64xf32, #tpu.memory_space<vmem>>) dst(%dma_wait3A_71 : memref<512x64xf32, #tpu.memory_space<hbm>>)
        tpu.yield
      }) : () -> ()
    } else {
    }
    %ne3A = arith.constant 0 : i32
    %ne3A_7 = arith.cmpi ne, %add3A, %ne3A : i32
    %convert_element_type3A_8 = arith.extui %ne3A_7 : i1 to i32
    %cond3A_9 = arith.constant 0 : i32
    %cond3A_10 = arith.cmpi ne, %convert_element_type3A_8, %cond3A_9 : i32
    scf.if %cond3A_10 {
      "tpu.region"() ({
        %run_scoped3A = tpu.sem_alloc : memref<!tpu.dma_semaphore, #tpu.memory_space<semaphore_mem>>
        %dma_start3A = arith.constant 0 : i32
        %dma_start3A_62 = tpu.memref_slice %arg3[%add3A_4, %dma_start3A] : memref<65536x64xf32, #tpu.memory_space<hbm>> -> memref<512x64xf32, #tpu.memory_space<hbm>>
        %dma_start3A_63 = arith.constant 0 : i32
        %dma_start3A_64 = tpu.memref_slice %arg3[%add3A_4, %dma_start3A_63] : memref<65536x64xf32, #tpu.memory_space<hbm>> -> memref<512x64xf32, #tpu.memory_space<hbm>>
        tpu.enqueue_dma source(%dma_start3A_64 : memref<512x64xf32, #tpu.memory_space<hbm>>) target(%arg6 : memref<512x64xf32, #tpu.memory_space<vmem>>) target_semaphore(%run_scoped3A : memref<!tpu.dma_semaphore, #tpu.memory_space<semaphore_mem>>)
        %dma_wait3A = arith.constant 0 : i32
        %dma_wait3A_65 = tpu.memref_slice %arg3[%add3A_4, %dma_wait3A] : memref<65536x64xf32, #tpu.memory_space<hbm>> -> memref<512x64xf32, #tpu.memory_space<hbm>>
        %dma_wait3A_66 = arith.constant 0 : i32
        %dma_wait3A_67 = tpu.memref_slice %arg3[%add3A_4, %dma_wait3A_66] : memref<65536x64xf32, #tpu.memory_space<hbm>> -> memref<512x64xf32, #tpu.memory_space<hbm>>
        tpu.wait_dma2 semaphore(%run_scoped3A : memref<!tpu.dma_semaphore, #tpu.memory_space<semaphore_mem>>) src(%dma_wait3A_67 : memref<512x64xf32, #tpu.memory_space<hbm>>) dst(%arg6 : memref<512x64xf32, #tpu.memory_space<vmem>>)
        tpu.yield
      }) : () -> ()
      "tpu.region"() ({
        %run_scoped3A = tpu.sem_alloc : memref<!tpu.dma_semaphore, #tpu.memory_space<semaphore_mem>>
        %dma_start3A = arith.constant 0 : i32
        %dma_start3A_62 = tpu.memref_slice %arg4[%add3A_4, %dma_start3A] : memref<65536x64xf32, #tpu.memory_space<hbm>> -> memref<512x64xf32, #tpu.memory_space<hbm>>
        %dma_start3A_63 = arith.constant 0 : i32
        %dma_start3A_64 = tpu.memref_slice %arg4[%add3A_4, %dma_start3A_63] : memref<65536x64xf32, #tpu.memory_space<hbm>> -> memref<512x64xf32, #tpu.memory_space<hbm>>
        tpu.enqueue_dma source(%arg6 : memref<512x64xf32, #tpu.memory_space<vmem>>) target(%dma_start3A_64 : memref<512x64xf32, #tpu.memory_space<hbm>>) target_semaphore(%run_scoped3A : memref<!tpu.dma_semaphore, #tpu.memory_space<semaphore_mem>>)
        %dma_wait3A = arith.constant 0 : i32
        %dma_wait3A_65 = tpu.memref_slice %arg4[%add3A_4, %dma_wait3A] : memref<65536x64xf32, #tpu.memory_space<hbm>> -> memref<512x64xf32, #tpu.memory_space<hbm>>
        %dma_wait3A_66 = arith.constant 0 : i32
        %dma_wait3A_67 = tpu.memref_slice %arg4[%add3A_4, %dma_wait3A_66] : memref<65536x64xf32, #tpu.memory_space<hbm>> -> memref<512x64xf32, #tpu.memory_space<hbm>>
        tpu.wait_dma2 semaphore(%run_scoped3A : memref<!tpu.dma_semaphore, #tpu.memory_space<semaphore_mem>>) src(%arg6 : memref<512x64xf32, #tpu.memory_space<vmem>>) dst(%dma_wait3A_67 : memref<512x64xf32, #tpu.memory_space<hbm>>)
        tpu.yield
      }) : () -> ()
    } else {
    }
    %add3A_11 = arith.constant 512 : i32
    %add3A_12 = arith.addi %mul3A_2, %add3A_11 : i32
    %eq3A_13 = arith.constant 0 : i32
    %eq3A_14 = arith.cmpi eq, %add3A, %eq3A_13 : i32
    %convert_element_type3A_15 = arith.extui %eq3A_14 : i1 to i32
    %cond3A_16 = arith.constant 0 : i32
    %cond3A_17 = arith.cmpi ne, %convert_element_type3A_15, %cond3A_16 : i32
    scf.if %cond3A_17 {
      "tpu.region"() ({
        %run_scoped3A = tpu.sem_alloc : memref<!tpu.dma_semaphore, #tpu.memory_space<semaphore_mem>>
        %dma_start3A = arith.constant 512 : i32
        %dma_start3A_62 = arith.constant 0 : i32
        %dma_start3A_63 = tpu.memref_slice %arg2[%dma_start3A, %dma_start3A_62] : memref<1024x64xf32, #tpu.memory_space<hbm>> -> memref<512x64xf32, #tpu.memory_space<hbm>>
        %dma_start3A_64 = arith.constant 512 : i32
        %dma_start3A_65 = arith.constant 0 : i32
        %dma_start3A_66 = tpu.memref_slice %arg2[%dma_start3A_64, %dma_start3A_65] : memref<1024x64xf32, #tpu.memory_space<hbm>> -> memref<512x64xf32, #tpu.memory_space<hbm>>
        tpu.enqueue_dma source(%dma_start3A_66 : memref<512x64xf32, #tpu.memory_space<hbm>>) target(%arg6 : memref<512x64xf32, #tpu.memory_space<vmem>>) target_semaphore(%run_scoped3A : memref<!tpu.dma_semaphore, #tpu.memory_space<semaphore_mem>>)
        %dma_wait3A = arith.constant 512 : i32
        %dma_wait3A_67 = arith.constant 0 : i32
        %dma_wait3A_68 = tpu.memref_slice %arg2[%dma_wait3A, %dma_wait3A_67] : memref<1024x64xf32, #tpu.memory_space<hbm>> -> memref<512x64xf32, #tpu.memory_space<hbm>>
        %dma_wait3A_69 = arith.constant 512 : i32
        %dma_wait3A_70 = arith.constant 0 : i32
        %dma_wait3A_71 = tpu.memref_slice %arg2[%dma_wait3A_69, %dma_wait3A_70] : memref<1024x64xf32, #tpu.memory_space<hbm>> -> memref<512x64xf32, #tpu.memory_space<hbm>>
        tpu.wait_dma2 semaphore(%run_scoped3A : memref<!tpu.dma_semaphore, #tpu.memory_space<semaphore_mem>>) src(%dma_wait3A_71 : memref<512x64xf32, #tpu.memory_space<hbm>>) dst(%arg6 : memref<512x64xf32, #tpu.memory_space<vmem>>)
        tpu.yield
      }) : () -> ()
      "tpu.region"() ({
        %run_scoped3A = tpu.sem_alloc : memref<!tpu.dma_semaphore, #tpu.memory_space<semaphore_mem>>
        %dma_start3A = arith.constant 512 : i32
        %dma_start3A_62 = arith.constant 0 : i32
        %dma_start3A_63 = tpu.memref_slice %arg4[%dma_start3A, %dma_start3A_62] : memref<65536x64xf32, #tpu.memory_space<hbm>> -> memref<512x64xf32, #tpu.memory_space<hbm>>
        %dma_start3A_64 = arith.constant 512 : i32
        %dma_start3A_65 = arith.constant 0 : i32
        %dma_start3A_66 = tpu.memref_slice %arg4[%dma_start3A_64, %dma_start3A_65] : memref<65536x64xf32, #tpu.memory_space<hbm>> -> memref<512x64xf32, #tpu.memory_space<hbm>>
        tpu.enqueue_dma source(%arg6 : memref<512x64xf32, #tpu.memory_space<vmem>>) target(%dma_start3A_66 : memref<512x64xf32, #tpu.memory_space<hbm>>) target_semaphore(%run_scoped3A : memref<!tpu.dma_semaphore, #tpu.memory_space<semaphore_mem>>)
        %dma_wait3A = arith.constant 512 : i32
        %dma_wait3A_67 = arith.constant 0 : i32
        %dma_wait3A_68 = tpu.memref_slice %arg4[%dma_wait3A, %dma_wait3A_67] : memref<65536x64xf32, #tpu.memory_space<hbm>> -> memref<512x64xf32, #tpu.memory_space<hbm>>
        %dma_wait3A_69 = arith.constant 512 : i32
        %dma_wait3A_70 = arith.constant 0 : i32
        %dma_wait3A_71 = tpu.memref_slice %arg4[%dma_wait3A_69, %dma_wait3A_70] : memref<65536x64xf32, #tpu.memory_space<hbm>> -> memref<512x64xf32, #tpu.memory_space<hbm>>
        tpu.wait_dma2 semaphore(%run_scoped3A : memref<!tpu.dma_semaphore, #tpu.memory_space<semaphore_mem>>) src(%arg6 : memref<512x64xf32, #tpu.memory_space<vmem>>) dst(%dma_wait3A_71 : memref<512x64xf32, #tpu.memory_space<hbm>>)
        tpu.yield
      }) : () -> ()
    } else {
    }
    %ne3A_18 = arith.constant 0 : i32
    %ne3A_19 = arith.cmpi ne, %add3A, %ne3A_18 : i32
    %convert_element_type3A_20 = arith.extui %ne3A_19 : i1 to i32
    %cond3A_21 = arith.constant 0 : i32
    %cond3A_22 = arith.cmpi ne, %convert_element_type3A_20, %cond3A_21 : i32
    scf.if %cond3A_22 {
      "tpu.region"() ({
        %run_scoped3A = tpu.sem_alloc : memref<!tpu.dma_semaphore, #tpu.memory_space<semaphore_mem>>
        %dma_start3A = arith.constant 0 : i32
        %dma_start3A_62 = tpu.memref_slice %arg3[%add3A_12, %dma_start3A] : memref<65536x64xf32, #tpu.memory_space<hbm>> -> memref<512x64xf32, #tpu.memory_space<hbm>>
        %dma_start3A_63 = arith.constant 0 : i32
        %dma_start3A_64 = tpu.memref_slice %arg3[%add3A_12, %dma_start3A_63] : memref<65536x64xf32, #tpu.memory_space<hbm>> -> memref<512x64xf32, #tpu.memory_space<hbm>>
        tpu.enqueue_dma source(%dma_start3A_64 : memref<512x64xf32, #tpu.memory_space<hbm>>) target(%arg6 : memref<512x64xf32, #tpu.memory_space<vmem>>) target_semaphore(%run_scoped3A : memref<!tpu.dma_semaphore, #tpu.memory_space<semaphore_mem>>)
        %dma_wait3A = arith.constant 0 : i32
        %dma_wait3A_65 = tpu.memref_slice %arg3[%add3A_12, %dma_wait3A] : memref<65536x64xf32, #tpu.memory_space<hbm>> -> memref<512x64xf32, #tpu.memory_space<hbm>>
        %dma_wait3A_66 = arith.constant 0 : i32
        %dma_wait3A_67 = tpu.memref_slice %arg3[%add3A_12, %dma_wait3A_66] : memref<65536x64xf32, #tpu.memory_space<hbm>> -> memref<512x64xf32, #tpu.memory_space<hbm>>
        tpu.wait_dma2 semaphore(%run_scoped3A : memref<!tpu.dma_semaphore, #tpu.memory_space<semaphore_mem>>) src(%dma_wait3A_67 : memref<512x64xf32, #tpu.memory_space<hbm>>) dst(%arg6 : memref<512x64xf32, #tpu.memory_space<vmem>>)
        tpu.yield
      }) : () -> ()
      "tpu.region"() ({
        %run_scoped3A = tpu.sem_alloc : memref<!tpu.dma_semaphore, #tpu.memory_space<semaphore_mem>>
        %dma_start3A = arith.constant 0 : i32
        %dma_start3A_62 = tpu.memref_slice %arg4[%add3A_12, %dma_start3A] : memref<65536x64xf32, #tpu.memory_space<hbm>> -> memref<512x64xf32, #tpu.memory_space<hbm>>
        %dma_start3A_63 = arith.constant 0 : i32
        %dma_start3A_64 = tpu.memref_slice %arg4[%add3A_12, %dma_start3A_63] : memref<65536x64xf32, #tpu.memory_space<hbm>> -> memref<512x64xf32, #tpu.memory_space<hbm>>
        tpu.enqueue_dma source(%arg6 : memref<512x64xf32, #tpu.memory_space<vmem>>) target(%dma_start3A_64 : memref<512x64xf32, #tpu.memory_space<hbm>>) target_semaphore(%run_scoped3A : memref<!tpu.dma_semaphore, #tpu.memory_space<semaphore_mem>>)
        %dma_wait3A = arith.constant 0 : i32
        %dma_wait3A_65 = tpu.memref_slice %arg4[%add3A_12, %dma_wait3A] : memref<65536x64xf32, #tpu.memory_space<hbm>> -> memref<512x64xf32, #tpu.memory_space<hbm>>
        %dma_wait3A_66 = arith.constant 0 : i32
        %dma_wait3A_67 = tpu.memref_slice %arg4[%add3A_12, %dma_wait3A_66] : memref<65536x64xf32, #tpu.memory_space<hbm>> -> memref<512x64xf32, #tpu.memory_space<hbm>>
        tpu.wait_dma2 semaphore(%run_scoped3A : memref<!tpu.dma_semaphore, #tpu.memory_space<semaphore_mem>>) src(%arg6 : memref<512x64xf32, #tpu.memory_space<vmem>>) dst(%dma_wait3A_67 : memref<512x64xf32, #tpu.memory_space<hbm>>)
        tpu.yield
      }) : () -> ()
    } else {
    }
    %add3A_23 = arith.constant 1024 : i32
    %add3A_24 = arith.addi %mul3A_2, %add3A_23 : i32
    %eq3A_25 = arith.constant 0 : i32
    %eq3A_26 = arith.cmpi eq, %add3A, %eq3A_25 : i32
    %convert_element_type3A_27 = arith.extui %eq3A_26 : i1 to i32
    %cond3A_28 = arith.constant 0 : i32
    %cond3A_29 = arith.cmpi ne, %convert_element_type3A_27, %cond3A_28 : i32
    scf.if %cond3A_29 {
      "tpu.region"() ({
        %run_scoped3A = tpu.sem_alloc : memref<!tpu.dma_semaphore, #tpu.memory_space<semaphore_mem>>
        %dma_start3A = arith.constant 1024 : i32
        %dma_start3A_62 = arith.constant 0 : i32
        %dma_start3A_63 = tpu.memref_slice %arg3[%dma_start3A, %dma_start3A_62] : memref<65536x64xf32, #tpu.memory_space<hbm>> -> memref<512x64xf32, #tpu.memory_space<hbm>>
        %dma_start3A_64 = arith.constant 1024 : i32
        %dma_start3A_65 = arith.constant 0 : i32
        %dma_start3A_66 = tpu.memref_slice %arg3[%dma_start3A_64, %dma_start3A_65] : memref<65536x64xf32, #tpu.memory_space<hbm>> -> memref<512x64xf32, #tpu.memory_space<hbm>>
        tpu.enqueue_dma source(%dma_start3A_66 : memref<512x64xf32, #tpu.memory_space<hbm>>) target(%arg6 : memref<512x64xf32, #tpu.memory_space<vmem>>) target_semaphore(%run_scoped3A : memref<!tpu.dma_semaphore, #tpu.memory_space<semaphore_mem>>)
        %dma_wait3A = arith.constant 1024 : i32
        %dma_wait3A_67 = arith.constant 0 : i32
        %dma_wait3A_68 = tpu.memref_slice %arg3[%dma_wait3A, %dma_wait3A_67] : memref<65536x64xf32, #tpu.memory_space<hbm>> -> memref<512x64xf32, #tpu.memory_space<hbm>>
        %dma_wait3A_69 = arith.constant 1024 : i32
        %dma_wait3A_70 = arith.constant 0 : i32
        %dma_wait3A_71 = tpu.memref_slice %arg3[%dma_wait3A_69, %dma_wait3A_70] : memref<65536x64xf32, #tpu.memory_space<hbm>> -> memref<512x64xf32, #tpu.memory_space<hbm>>
        tpu.wait_dma2 semaphore(%run_scoped3A : memref<!tpu.dma_semaphore, #tpu.memory_space<semaphore_mem>>) src(%dma_wait3A_71 : memref<512x64xf32, #tpu.memory_space<hbm>>) dst(%arg6 : memref<512x64xf32, #tpu.memory_space<vmem>>)
        tpu.yield
      }) : () -> ()
      "tpu.region"() ({
        %run_scoped3A = tpu.sem_alloc : memref<!tpu.dma_semaphore, #tpu.memory_space<semaphore_mem>>
        %dma_start3A = arith.constant 1024 : i32
        %dma_start3A_62 = arith.constant 0 : i32
        %dma_start3A_63 = tpu.memref_slice %arg4[%dma_start3A, %dma_start3A_62] : memref<65536x64xf32, #tpu.memory_space<hbm>> -> memref<512x64xf32, #tpu.memory_space<hbm>>
        %dma_start3A_64 = arith.constant 1024 : i32
        %dma_start3A_65 = arith.constant 0 : i32
        %dma_start3A_66 = tpu.memref_slice %arg4[%dma_start3A_64, %dma_start3A_65] : memref<65536x64xf32, #tpu.memory_space<hbm>> -> memref<512x64xf32, #tpu.memory_space<hbm>>
        tpu.enqueue_dma source(%arg6 : memref<512x64xf32, #tpu.memory_space<vmem>>) target(%dma_start3A_66 : memref<512x64xf32, #tpu.memory_space<hbm>>) target_semaphore(%run_scoped3A : memref<!tpu.dma_semaphore, #tpu.memory_space<semaphore_mem>>)
        %dma_wait3A = arith.constant 1024 : i32
        %dma_wait3A_67 = arith.constant 0 : i32
        %dma_wait3A_68 = tpu.memref_slice %arg4[%dma_wait3A, %dma_wait3A_67] : memref<65536x64xf32, #tpu.memory_space<hbm>> -> memref<512x64xf32, #tpu.memory_space<hbm>>
        %dma_wait3A_69 = arith.constant 1024 : i32
        %dma_wait3A_70 = arith.constant 0 : i32
        %dma_wait3A_71 = tpu.memref_slice %arg4[%dma_wait3A_69, %dma_wait3A_70] : memref<65536x64xf32, #tpu.memory_space<hbm>> -> memref<512x64xf32, #tpu.memory_space<hbm>>
        tpu.wait_dma2 semaphore(%run_scoped3A : memref<!tpu.dma_semaphore, #tpu.memory_space<semaphore_mem>>) src(%arg6 : memref<512x64xf32, #tpu.memory_space<vmem>>) dst(%dma_wait3A_71 : memref<512x64xf32, #tpu.memory_space<hbm>>)
        tpu.yield
      }) : () -> ()
    } else {
    }
    %ne3A_30 = arith.constant 0 : i32
    %ne3A_31 = arith.cmpi ne, %add3A, %ne3A_30 : i32
    %convert_element_type3A_32 = arith.extui %ne3A_31 : i1 to i32
    %cond3A_33 = arith.constant 0 : i32
    %cond3A_34 = arith.cmpi ne, %convert_element_type3A_32, %cond3A_33 : i32
    scf.if %cond3A_34 {
      "tpu.region"() ({
        %run_scoped3A = tpu.sem_alloc : memref<!tpu.dma_semaphore, #tpu.memory_space<semaphore_mem>>
        %dma_start3A = arith.constant 0 : i32
        %dma_start3A_62 = tpu.memref_slice %arg3[%add3A_24, %dma_start3A] : memref<65536x64xf32, #tpu.memory_space<hbm>> -> memref<512x64xf32, #tpu.memory_space<hbm>>
        %dma_start3A_63 = arith.constant 0 : i32
        %dma_start3A_64 = tpu.memref_slice %arg3[%add3A_24, %dma_start3A_63] : memref<65536x64xf32, #tpu.memory_space<hbm>> -> memref<512x64xf32, #tpu.memory_space<hbm>>
        tpu.enqueue_dma source(%dma_start3A_64 : memref<512x64xf32, #tpu.memory_space<hbm>>) target(%arg6 : memref<512x64xf32, #tpu.memory_space<vmem>>) target_semaphore(%run_scoped3A : memref<!tpu.dma_semaphore, #tpu.memory_space<semaphore_mem>>)
        %dma_wait3A = arith.constant 0 : i32
        %dma_wait3A_65 = tpu.memref_slice %arg3[%add3A_24, %dma_wait3A] : memref<65536x64xf32, #tpu.memory_space<hbm>> -> memref<512x64xf32, #tpu.memory_space<hbm>>
        %dma_wait3A_66 = arith.constant 0 : i32
        %dma_wait3A_67 = tpu.memref_slice %arg3[%add3A_24, %dma_wait3A_66] : memref<65536x64xf32, #tpu.memory_space<hbm>> -> memref<512x64xf32, #tpu.memory_space<hbm>>
        tpu.wait_dma2 semaphore(%run_scoped3A : memref<!tpu.dma_semaphore, #tpu.memory_space<semaphore_mem>>) src(%dma_wait3A_67 : memref<512x64xf32, #tpu.memory_space<hbm>>) dst(%arg6 : memref<512x64xf32, #tpu.memory_space<vmem>>)
        tpu.yield
      }) : () -> ()
      "tpu.region"() ({
        %run_scoped3A = tpu.sem_alloc : memref<!tpu.dma_semaphore, #tpu.memory_space<semaphore_mem>>
        %dma_start3A = arith.constant 0 : i32
        %dma_start3A_62 = tpu.memref_slice %arg4[%add3A_24, %dma_start3A] : memref<65536x64xf32, #tpu.memory_space<hbm>> -> memref<512x64xf32, #tpu.memory_space<hbm>>
        %dma_start3A_63 = arith.constant 0 : i32
        %dma_start3A_64 = tpu.memref_slice %arg4[%add3A_24, %dma_start3A_63] : memref<65536x64xf32, #tpu.memory_space<hbm>> -> memref<512x64xf32, #tpu.memory_space<hbm>>
        tpu.enqueue_dma source(%arg6 : memref<512x64xf32, #tpu.memory_space<vmem>>) target(%dma_start3A_64 : memref<512x64xf32, #tpu.memory_space<hbm>>) target_semaphore(%run_scoped3A : memref<!tpu.dma_semaphore, #tpu.memory_space<semaphore_mem>>)
        %dma_wait3A = arith.constant 0 : i32
        %dma_wait3A_65 = tpu.memref_slice %arg4[%add3A_24, %dma_wait3A] : memref<65536x64xf32, #tpu.memory_space<hbm>> -> memref<512x64xf32, #tpu.memory_space<hbm>>
        %dma_wait3A_66 = arith.constant 0 : i32
        %dma_wait3A_67 = tpu.memref_slice %arg4[%add3A_24, %dma_wait3A_66] : memref<65536x64xf32, #tpu.memory_space<hbm>> -> memref<512x64xf32, #tpu.memory_space<hbm>>
        tpu.wait_dma2 semaphore(%run_scoped3A : memref<!tpu.dma_semaphore, #tpu.memory_space<semaphore_mem>>) src(%arg6 : memref<512x64xf32, #tpu.memory_space<vmem>>) dst(%dma_wait3A_67 : memref<512x64xf32, #tpu.memory_space<hbm>>)
        tpu.yield
      }) : () -> ()
    } else {
    }
    %add3A_35 = arith.constant 1536 : i32
    %add3A_36 = arith.addi %mul3A_2, %add3A_35 : i32
    %eq3A_37 = arith.constant 0 : i32
    %eq3A_38 = arith.cmpi eq, %add3A, %eq3A_37 : i32
    %convert_element_type3A_39 = arith.extui %eq3A_38 : i1 to i32
    %cond3A_40 = arith.constant 0 : i32
    %cond3A_41 = arith.cmpi ne, %convert_element_type3A_39, %cond3A_40 : i32
    scf.if %cond3A_41 {
      "tpu.region"() ({
        %run_scoped3A = tpu.sem_alloc : memref<!tpu.dma_semaphore, #tpu.memory_space<semaphore_mem>>
        %dma_start3A = arith.constant 1536 : i32
        %dma_start3A_62 = arith.constant 0 : i32
        %dma_start3A_63 = tpu.memref_slice %arg3[%dma_start3A, %dma_start3A_62] : memref<65536x64xf32, #tpu.memory_space<hbm>> -> memref<512x64xf32, #tpu.memory_space<hbm>>
        %dma_start3A_64 = arith.constant 1536 : i32
        %dma_start3A_65 = arith.constant 0 : i32
        %dma_start3A_66 = tpu.memref_slice %arg3[%dma_start3A_64, %dma_start3A_65] : memref<65536x64xf32, #tpu.memory_space<hbm>> -> memref<512x64xf32, #tpu.memory_space<hbm>>
        tpu.enqueue_dma source(%dma_start3A_66 : memref<512x64xf32, #tpu.memory_space<hbm>>) target(%arg6 : memref<512x64xf32, #tpu.memory_space<vmem>>) target_semaphore(%run_scoped3A : memref<!tpu.dma_semaphore, #tpu.memory_space<semaphore_mem>>)
        %dma_wait3A = arith.constant 1536 : i32
        %dma_wait3A_67 = arith.constant 0 : i32
        %dma_wait3A_68 = tpu.memref_slice %arg3[%dma_wait3A, %dma_wait3A_67] : memref<65536x64xf32, #tpu.memory_space<hbm>> -> memref<512x64xf32, #tpu.memory_space<hbm>>
        %dma_wait3A_69 = arith.constant 1536 : i32
        %dma_wait3A_70 = arith.constant 0 : i32
        %dma_wait3A_71 = tpu.memref_slice %arg3[%dma_wait3A_69, %dma_wait3A_70] : memref<65536x64xf32, #tpu.memory_space<hbm>> -> memref<512x64xf32, #tpu.memory_space<hbm>>
        tpu.wait_dma2 semaphore(%run_scoped3A : memref<!tpu.dma_semaphore, #tpu.memory_space<semaphore_mem>>) src(%dma_wait3A_71 : memref<512x64xf32, #tpu.memory_space<hbm>>) dst(%arg6 : memref<512x64xf32, #tpu.memory_space<vmem>>)
        tpu.yield
      }) : () -> ()
      "tpu.region"() ({
        %run_scoped3A = tpu.sem_alloc : memref<!tpu.dma_semaphore, #tpu.memory_space<semaphore_mem>>
        %dma_start3A = arith.constant 1536 : i32
        %dma_start3A_62 = arith.constant 0 : i32
        %dma_start3A_63 = tpu.memref_slice %arg4[%dma_start3A, %dma_start3A_62] : memref<65536x64xf32, #tpu.memory_space<hbm>> -> memref<512x64xf32, #tpu.memory_space<hbm>>
        %dma_start3A_64 = arith.constant 1536 : i32
        %dma_start3A_65 = arith.constant 0 : i32
        %dma_start3A_66 = tpu.memref_slice %arg4[%dma_start3A_64, %dma_start3A_65] : memref<65536x64xf32, #tpu.memory_space<hbm>> -> memref<512x64xf32, #tpu.memory_space<hbm>>
        tpu.enqueue_dma source(%arg6 : memref<512x64xf32, #tpu.memory_space<vmem>>) target(%dma_start3A_66 : memref<512x64xf32, #tpu.memory_space<hbm>>) target_semaphore(%run_scoped3A : memref<!tpu.dma_semaphore, #tpu.memory_space<semaphore_mem>>)
        %dma_wait3A = arith.constant 1536 : i32
        %dma_wait3A_67 = arith.constant 0 : i32
        %dma_wait3A_68 = tpu.memref_slice %arg4[%dma_wait3A, %dma_wait3A_67] : memref<65536x64xf32, #tpu.memory_space<hbm>> -> memref<512x64xf32, #tpu.memory_space<hbm>>
        %dma_wait3A_69 = arith.constant 1536 : i32
        %dma_wait3A_70 = arith.constant 0 : i32
        %dma_wait3A_71 = tpu.memref_slice %arg4[%dma_wait3A_69, %dma_wait3A_70] : memref<65536x64xf32, #tpu.memory_space<hbm>> -> memref<512x64xf32, #tpu.memory_space<hbm>>
        tpu.wait_dma2 semaphore(%run_scoped3A : memref<!tpu.dma_semaphore, #tpu.memory_space<semaphore_mem>>) src(%arg6 : memref<512x64xf32, #tpu.memory_space<vmem>>) dst(%dma_wait3A_71 : memref<512x64xf32, #tpu.memory_space<hbm>>)
        tpu.yield
      }) : () -> ()
    } else {
    }
    %ne3A_42 = arith.constant 0 : i32
    %ne3A_43 = arith.cmpi ne, %add3A, %ne3A_42 : i32
    %convert_element_type3A_44 = arith.extui %ne3A_43 : i1 to i32
    %cond3A_45 = arith.constant 0 : i32
    %cond3A_46 = arith.cmpi ne, %convert_element_type3A_44, %cond3A_45 : i32
    scf.if %cond3A_46 {
      "tpu.region"() ({
        %run_scoped3A = tpu.sem_alloc : memref<!tpu.dma_semaphore, #tpu.memory_space<semaphore_mem>>
        %dma_start3A = arith.constant 0 : i32
        %dma_start3A_62 = tpu.memref_slice %arg3[%add3A_36, %dma_start3A] : memref<65536x64xf32, #tpu.memory_space<hbm>> -> memref<512x64xf32, #tpu.memory_space<hbm>>
        %dma_start3A_63 = arith.constant 0 : i32
        %dma_start3A_64 = tpu.memref_slice %arg3[%add3A_36, %dma_start3A_63] : memref<65536x64xf32, #tpu.memory_space<hbm>> -> memref<512x64xf32, #tpu.memory_space<hbm>>
        tpu.enqueue_dma source(%dma_start3A_64 : memref<512x64xf32, #tpu.memory_space<hbm>>) target(%arg6 : memref<512x64xf32, #tpu.memory_space<vmem>>) target_semaphore(%run_scoped3A : memref<!tpu.dma_semaphore, #tpu.memory_space<semaphore_mem>>)
        %dma_wait3A = arith.constant 0 : i32
        %dma_wait3A_65 = tpu.memref_slice %arg3[%add3A_36, %dma_wait3A] : memref<65536x64xf32, #tpu.memory_space<hbm>> -> memref<512x64xf32, #tpu.memory_space<hbm>>
        %dma_wait3A_66 = arith.constant 0 : i32
        %dma_wait3A_67 = tpu.memref_slice %arg3[%add3A_36, %dma_wait3A_66] : memref<65536x64xf32, #tpu.memory_space<hbm>> -> memref<512x64xf32, #tpu.memory_space<hbm>>
        tpu.wait_dma2 semaphore(%run_scoped3A : memref<!tpu.dma_semaphore, #tpu.memory_space<semaphore_mem>>) src(%dma_wait3A_67 : memref<512x64xf32, #tpu.memory_space<hbm>>) dst(%arg6 : memref<512x64xf32, #tpu.memory_space<vmem>>)
        tpu.yield
      }) : () -> ()
      "tpu.region"() ({
        %run_scoped3A = tpu.sem_alloc : memref<!tpu.dma_semaphore, #tpu.memory_space<semaphore_mem>>
        %dma_start3A = arith.constant 0 : i32
        %dma_start3A_62 = tpu.memref_slice %arg4[%add3A_36, %dma_start3A] : memref<65536x64xf32, #tpu.memory_space<hbm>> -> memref<512x64xf32, #tpu.memory_space<hbm>>
        %dma_start3A_63 = arith.constant 0 : i32
        %dma_start3A_64 = tpu.memref_slice %arg4[%add3A_36, %dma_start3A_63] : memref<65536x64xf32, #tpu.memory_space<hbm>> -> memref<512x64xf32, #tpu.memory_space<hbm>>
        tpu.enqueue_dma source(%arg6 : memref<512x64xf32, #tpu.memory_space<vmem>>) target(%dma_start3A_64 : memref<512x64xf32, #tpu.memory_space<hbm>>) target_semaphore(%run_scoped3A : memref<!tpu.dma_semaphore, #tpu.memory_space<semaphore_mem>>)
        %dma_wait3A = arith.constant 0 : i32
        %dma_wait3A_65 = tpu.memref_slice %arg4[%add3A_36, %dma_wait3A] : memref<65536x64xf32, #tpu.memory_space<hbm>> -> memref<512x64xf32, #tpu.memory_space<hbm>>
        %dma_wait3A_66 = arith.constant 0 : i32
        %dma_wait3A_67 = tpu.memref_slice %arg4[%add3A_36, %dma_wait3A_66] : memref<65536x64xf32, #tpu.memory_space<hbm>> -> memref<512x64xf32, #tpu.memory_space<hbm>>
        tpu.wait_dma2 semaphore(%run_scoped3A : memref<!tpu.dma_semaphore, #tpu.memory_space<semaphore_mem>>) src(%arg6 : memref<512x64xf32, #tpu.memory_space<vmem>>) dst(%dma_wait3A_67 : memref<512x64xf32, #tpu.memory_space<hbm>>)
        tpu.yield
      }) : () -> ()
    } else {
    }
    %broadcast_in_dim3A = arith.constant 1.000000e+00 : f32
    %broadcast_in_dim3A_47 = vector.broadcast %broadcast_in_dim3A : f32 to vector<16xf32>
    %scan3A = arith.constant 0 : i32
    %scan3A_48 = arith.constant 0 : i32
    %scan3A_49 = arith.constant 128 : i32
    %scan3A_50 = arith.addi %scan3A_48, %scan3A_49 : i32
    %scan3A_51 = arith.constant 1 : i32
    %scan3A_52 = scf.for %scan3A_62 = %scan3A_48 to %scan3A_50 step %scan3A_51 iter_args(%scan3A_63 = %scan3A) -> (i32)  : i32 {
      %mul3A_64 = arith.constant 16 : i32
      %mul3A_65 = arith.muli %scan3A_62, %mul3A_64 : i32
      %swap3A = arith.index_cast %mul3A_65 : i32 to index
      %swap3A_66 = tpu.vector_load %arg7[%swap3A] {strides = array<i32>} : memref<2048xf32, #tpu.memory_space<vmem>>, vector<16xf32>,
      %swap3A_67 = vector.shape_cast %swap3A_66 : vector<16xf32> to vector<16xf32>
      %swap3A_68 = vector.shape_cast %broadcast_in_dim3A_47 : vector<16xf32> to vector<16xf32>
      tpu.vector_store %arg7[%swap3A], %swap3A_68 {strides = array<i32>} : memref<2048xf32, #tpu.memory_space<vmem>>, vector<16xf32>,
      %scan3A_69 = arith.constant 0 : i32
      scf.yield %scan3A_69 : i32
    }
    %scan3A_53 = arith.constant 128 : i32
    %mul3A_54 = arith.constant 2048 : i32
    %mul3A_55 = arith.muli %add3A, %mul3A_54 : i32
    %lt3A = arith.constant 1024 : i32
    %lt3A_56 = arith.cmpi slt, %mul3A_55, %lt3A : i32
    %convert_element_type3A_57 = arith.extui %lt3A_56 : i1 to i32
    %cond3A_58 = arith.constant 0 : i32
    %cond3A_59 = arith.cmpi ne, %convert_element_type3A_57, %cond3A_58 : i32
    scf.if %cond3A_59 {
      %broadcast_in_dim3A_62 = arith.constant 0.000000e+00 : f32
      %broadcast_in_dim3A_63 = vector.broadcast %broadcast_in_dim3A_62 : f32 to vector<16xf32>
      %scan3A_64 = arith.constant 0 : i32
      %scan3A_65 = arith.constant 0 : i32
      %scan3A_66 = arith.constant 64 : i32
      %scan3A_67 = arith.addi %scan3A_65, %scan3A_66 : i32
      %scan3A_68 = arith.constant 1 : i32
      %scan3A_69 = scf.for %scan3A_71 = %scan3A_65 to %scan3A_67 step %scan3A_68 iter_args(%scan3A_72 = %scan3A_64) -> (i32)  : i32 {
        %mul3A_73 = arith.constant 16 : i32
        %mul3A_74 = arith.muli %scan3A_71, %mul3A_73 : i32
        %swap3A = arith.index_cast %mul3A_74 : i32 to index
        %swap3A_75 = tpu.vector_load %arg7[%swap3A] {strides = array<i32>} : memref<2048xf32, #tpu.memory_space<vmem>>, vector<16xf32>,
        %swap3A_76 = vector.shape_cast %swap3A_75 : vector<16xf32> to vector<16xf32>
        %swap3A_77 = vector.shape_cast %broadcast_in_dim3A_63 : vector<16xf32> to vector<16xf32>
        tpu.vector_store %arg7[%swap3A], %swap3A_77 {strides = array<i32>} : memref<2048xf32, #tpu.memory_space<vmem>>, vector<16xf32>,
        %scan3A_78 = arith.constant 0 : i32
        scf.yield %scan3A_78 : i32
      }
      %scan3A_70 = arith.constant 64 : i32
    } else {
    }
    %mul3A_60 = arith.constant 2048 : i32
    %mul3A_61 = arith.muli %add3A, %mul3A_60 : i32
    "tpu.region"() ({
      %run_scoped3A = tpu.sem_alloc : memref<!tpu.dma_semaphore, #tpu.memory_space<semaphore_mem>>
      %dma_start3A = tpu.memref_slice %arg5[%mul3A_61] : memref<65536xf32, #tpu.memory_space<hbm>> -> memref<2048xf32, #tpu.memory_space<hbm>>
      %dma_start3A_62 = tpu.memref_slice %arg5[%mul3A_61] : memref<65536xf32, #tpu.memory_space<hbm>> -> memref<2048xf32, #tpu.memory_space<hbm>>
      tpu.enqueue_dma source(%arg7 : memref<2048xf32, #tpu.memory_space<vmem>>) target(%dma_start3A_62 : memref<2048xf32, #tpu.memory_space<hbm>>) target_semaphore(%run_scoped3A : memref<!tpu.dma_semaphore, #tpu.memory_space<semaphore_mem>>)
      %dma_wait3A = tpu.memref_slice %arg5[%mul3A_61] : memref<65536xf32, #tpu.memory_space<hbm>> -> memref<2048xf32, #tpu.memory_space<hbm>>
      %dma_wait3A_63 = tpu.memref_slice %arg5[%mul3A_61] : memref<65536xf32, #tpu.memory_space<hbm>> -> memref<2048xf32, #tpu.memory_space<hbm>>
      tpu.wait_dma2 semaphore(%run_scoped3A : memref<!tpu.dma_semaphore, #tpu.memory_space<semaphore_mem>>) src(%arg7 : memref<2048xf32, #tpu.memory_space<vmem>>) dst(%dma_wait3A_63 : memref<2048xf32, #tpu.memory_space<hbm>>)
      tpu.yield
    }) : () -> ()
    return
  }
}

module attributes {stable_mosaic.version = 14 : i64} {
  func.func @_lambda_(%arg0: memref<1024x64xf32, #tpu.memory_space<vmem>>, %arg1: memref<1024x64xf32, #tpu.memory_space<vmem>>, %arg2: memref<64x64xf32, #tpu.memory_space<vmem>>, %arg3: memref<1x64xf32, #tpu.memory_space<vmem>>, %arg4: memref<64x64xf32, #tpu.memory_space<vmem>>, %arg5: memref<1x64xf32, #tpu.memory_space<vmem>>, %arg6: memref<64x64xf32, #tpu.memory_space<vmem>>, %arg7: memref<1x64xf32, #tpu.memory_space<vmem>>, %arg8: memref<1024x64xf32, #tpu.memory_space<any>>, %arg9: memref<1024x65536xf32, #tpu.memory_space<any>>, %arg10: memref<1x65536xf32, #tpu.memory_space<any>>, %arg11: memref<1024x1024xf32, #tpu.memory_space<vmem>>, %arg12: memref<1024x1024xf32, #tpu.memory_space<vmem>>, %arg13: memref<1024x64xf32, #tpu.memory_space<vmem>>, %arg14: memref<1x65536xf32, #tpu.memory_space<vmem>>, %arg15: memref<!tpu.dma_semaphore, #tpu.memory_space<semaphore_mem>>) attributes {dimension_semantics = [], scalar_prefetch = 0 : i64, scratch_operands = 5 : i64, tpu.core_type = #tpu.core_type<tc>} {
    %get3A = arith.constant 0 : index
    %get3A_0 = arith.constant 0 : index
    %get3A_1 = vector.load %arg0[%get3A, %get3A_0] : memref<1024x64xf32, #tpu.memory_space<vmem>>, vector<1024x64xf32>
    %get3A_2 = arith.constant 0 : index
    %get3A_3 = arith.constant 0 : index
    %get3A_4 = vector.load %arg1[%get3A_2, %get3A_3] : memref<1024x64xf32, #tpu.memory_space<vmem>>, vector<1024x64xf32>
    %get3A_5 = arith.constant 0 : index
    %get3A_6 = arith.constant 0 : index
    %get3A_7 = vector.load %arg2[%get3A_5, %get3A_6] : memref<64x64xf32, #tpu.memory_space<vmem>>, vector<64x64xf32>
    %transpose3A = tpu.transpose %get3A_7, [1, 0] : vector<64x64xf32> -> vector<64x64xf32>
    %dot_general3A = arith.constant dense<0.000000e+00> : vector<1024x64xf32>
    %dot_general3A_8 = tpu.matmul %get3A_4, %transpose3A, %dot_general3A {dimension_numbers = #tpu.dot_dimension_numbers<[1], [0], [0], [1], [0, 0, 1, 1], [], []>, transpose_lhs_hint = false} : vector<1024x64xf32>, vector<64x64xf32>, vector<1024x64xf32> -> vector<1024x64xf32>
    %get3A_9 = arith.constant 0 : index
    %get3A_10 = arith.constant 0 : index
    %get3A_11 = vector.load %arg3[%get3A_9, %get3A_10] : memref<1x64xf32, #tpu.memory_space<vmem>>, vector<1x64xf32>
    %add3A = vector.broadcast %get3A_11 : vector<1x64xf32> to vector<1024x64xf32>
    %add3A_12 = arith.addf %dot_general3A_8, %add3A : vector<1024x64xf32>
    %get3A_13 = arith.constant 0 : index
    %get3A_14 = arith.constant 0 : index
    %get3A_15 = vector.load %arg4[%get3A_13, %get3A_14] : memref<64x64xf32, #tpu.memory_space<vmem>>, vector<64x64xf32>
    %transpose3A_16 = tpu.transpose %get3A_15, [1, 0] : vector<64x64xf32> -> vector<64x64xf32>
    %dot_general3A_17 = arith.constant dense<0.000000e+00> : vector<1024x64xf32>
    %dot_general3A_18 = tpu.matmul %get3A_1, %transpose3A_16, %dot_general3A_17 {dimension_numbers = #tpu.dot_dimension_numbers<[1], [0], [0], [1], [0, 0, 1, 1], [], []>, transpose_lhs_hint = false} : vector<1024x64xf32>, vector<64x64xf32>, vector<1024x64xf32> -> vector<1024x64xf32>
    %get3A_19 = arith.constant 0 : index
    %get3A_20 = arith.constant 0 : index
    %get3A_21 = vector.load %arg5[%get3A_19, %get3A_20] : memref<1x64xf32, #tpu.memory_space<vmem>>, vector<1x64xf32>
    %add3A_22 = vector.broadcast %get3A_21 : vector<1x64xf32> to vector<1024x64xf32>
    %add3A_23 = arith.addf %dot_general3A_18, %add3A_22 : vector<1024x64xf32>
    %get3A_24 = arith.constant 0 : index
    %get3A_25 = arith.constant 0 : index
    %get3A_26 = vector.load %arg6[%get3A_24, %get3A_25] : memref<64x64xf32, #tpu.memory_space<vmem>>, vector<64x64xf32>
    %transpose3A_27 = tpu.transpose %get3A_26, [1, 0] : vector<64x64xf32> -> vector<64x64xf32>
    %dot_general3A_28 = arith.constant dense<0.000000e+00> : vector<1024x64xf32>
    %dot_general3A_29 = tpu.matmul %get3A_1, %transpose3A_27, %dot_general3A_28 {dimension_numbers = #tpu.dot_dimension_numbers<[1], [0], [0], [1], [0, 0, 1, 1], [], []>, transpose_lhs_hint = false} : vector<1024x64xf32>, vector<64x64xf32>, vector<1024x64xf32> -> vector<1024x64xf32>
    %get3A_30 = arith.constant 0 : index
    %get3A_31 = arith.constant 0 : index
    %get3A_32 = vector.load %arg7[%get3A_30, %get3A_31] : memref<1x64xf32, #tpu.memory_space<vmem>>, vector<1x64xf32>
    %add3A_33 = vector.broadcast %get3A_32 : vector<1x64xf32> to vector<1024x64xf32>
    %add3A_34 = arith.addf %dot_general3A_29, %add3A_33 : vector<1024x64xf32>
    %transpose3A_35 = tpu.transpose %add3A_23, [1, 0] : vector<1024x64xf32> -> vector<64x1024xf32>
    %dot_general3A_36 = arith.constant dense<0.000000e+00> : vector<1024x1024xf32>
    %dot_general3A_37 = tpu.matmul %add3A_12, %transpose3A_35, %dot_general3A_36 {dimension_numbers = #tpu.dot_dimension_numbers<[1], [0], [0], [1], [0, 0, 1, 1], [], []>, transpose_lhs_hint = false} : vector<1024x64xf32>, vector<64x1024xf32>, vector<1024x1024xf32> -> vector<1024x1024xf32>
    %mul3A = arith.constant 1.250000e-01 : f32
    %mul3A_38 = vector.broadcast %mul3A : f32 to vector<1024x1024xf32>
    %mul3A_39 = arith.mulf %dot_general3A_37, %mul3A_38 : vector<1024x1024xf32>
    %get3A_40 = arith.constant 0 : index
    %get3A_41 = arith.constant 0 : index
    %get3A_42 = vector.load %arg5[%get3A_40, %get3A_41] : memref<1x64xf32, #tpu.memory_space<vmem>>, vector<1x64xf32>
    %transpose3A_43 = tpu.transpose %get3A_42, [1, 0] : vector<1x64xf32> -> vector<64x1xf32>
    %dot_general3A_44 = arith.constant dense<0.000000e+00> : vector<1024x1xf32>
    %dot_general3A_45 = tpu.matmul %add3A_12, %transpose3A_43, %dot_general3A_44 {dimension_numbers = #tpu.dot_dimension_numbers<[1], [0], [0], [1], [0, 0, 1, 1], [], []>, transpose_lhs_hint = false} : vector<1024x64xf32>, vector<64x1xf32>, vector<1024x1xf32> -> vector<1024x1xf32>
    %mul3A_46 = arith.constant 1.250000e-01 : f32
    %mul3A_47 = vector.broadcast %mul3A_46 : f32 to vector<1024x1xf32>
    %mul3A_48 = arith.mulf %dot_general3A_45, %mul3A_47 : vector<1024x1xf32>
    %reduce_max3A = arith.constant dense<0xFF800000> : vector<1024xf32>
    %reduce_max3A_49 = vector.multi_reduction <maximumf>, %mul3A_39, %reduce_max3A [1] : vector<1024x1024xf32> to vector<1024xf32>
    %broadcast_in_dim3A = vector.shape_cast %reduce_max3A_49 : vector<1024xf32> to vector<1024x1xf32>
    %max3A = arith.maximumf %broadcast_in_dim3A, %mul3A_48 : vector<1024x1xf32>
    %sub3A = vector.broadcast %max3A : vector<1024x1xf32> to vector<1024x1024xf32>
    %sub3A_50 = arith.subf %mul3A_39, %sub3A : vector<1024x1024xf32>
    %exp3A = math.exp %sub3A_50 : vector<1024x1024xf32>
    %sub3A_51 = arith.subf %mul3A_48, %max3A : vector<1024x1xf32>
    %exp3A_52 = math.exp %sub3A_51 : vector<1024x1xf32>
    %reduce_sum3A = arith.constant dense<0.000000e+00> : vector<1024xf32>
    %reduce_sum3A_53 = vector.multi_reduction <add>, %exp3A, %reduce_sum3A [1] : vector<1024x1024xf32> to vector<1024xf32>
    %broadcast_in_dim3A_54 = vector.shape_cast %reduce_sum3A_53 : vector<1024xf32> to vector<1024x1xf32>
    %mul3A_55 = arith.constant 6.451200e+04 : f32
    %mul3A_56 = vector.broadcast %mul3A_55 : f32 to vector<1024x1xf32>
    %mul3A_57 = arith.mulf %mul3A_56, %exp3A_52 : vector<1024x1xf32>
    %add3A_58 = arith.addf %broadcast_in_dim3A_54, %mul3A_57 : vector<1024x1xf32>
    %div3A = vector.broadcast %add3A_58 : vector<1024x1xf32> to vector<1024x1024xf32>
    %div3A_59 = arith.divf %exp3A, %div3A : vector<1024x1024xf32>
    %div3A_60 = arith.divf %exp3A_52, %add3A_58 : vector<1024x1xf32>
    %swap3A = arith.constant 0 : index
    %swap3A_61 = arith.constant 0 : index
    %swap3A_62 = vector.load %arg11[%swap3A, %swap3A_61] : memref<1024x1024xf32, #tpu.memory_space<vmem>>, vector<1024x1024xf32>
    tpu.vector_store %arg11[%swap3A, %swap3A_61], %div3A_59 {strides = array<i32>} : memref<1024x1024xf32, #tpu.memory_space<vmem>>, vector<1024x1024xf32>,
    %dma_start3A = arith.constant 0 : i32
    %dma_start3A_63 = arith.constant 0 : i32
    %dma_start3A_64 = tpu.memref_slice %arg9[%dma_start3A, %dma_start3A_63] : memref<1024x65536xf32, #tpu.memory_space<any>> -> memref<1024x1024xf32, #tpu.memory_space<any>>
    tpu.enqueue_dma source(%arg11 : memref<1024x1024xf32, #tpu.memory_space<vmem>>) target(%dma_start3A_64 : memref<1024x1024xf32, #tpu.memory_space<any>>) target_semaphore(%arg15 : memref<!tpu.dma_semaphore, #tpu.memory_space<semaphore_mem>>)
    %broadcast_in_dim3A_65 = vector.shape_cast %div3A_60 : vector<1024x1xf32> to vector<1024x1xf32>
    %broadcast_in_dim3A_66 = vector.broadcast %broadcast_in_dim3A_65 : vector<1024x1xf32> to vector<1024x1024xf32>
    %swap3A_67 = arith.constant 0 : index
    %swap3A_68 = arith.constant 0 : index
    %swap3A_69 = vector.load %arg12[%swap3A_67, %swap3A_68] : memref<1024x1024xf32, #tpu.memory_space<vmem>>, vector<1024x1024xf32>
    tpu.vector_store %arg12[%swap3A_67, %swap3A_68], %broadcast_in_dim3A_66 {strides = array<i32>} : memref<1024x1024xf32, #tpu.memory_space<vmem>>, vector<1024x1024xf32>,
    %dma_start3A_70 = arith.constant 0 : i32
    %dma_start3A_71 = arith.constant 1024 : i32
    %dma_start3A_72 = tpu.memref_slice %arg9[%dma_start3A_70, %dma_start3A_71] : memref<1024x65536xf32, #tpu.memory_space<any>> -> memref<1024x1024xf32, #tpu.memory_space<any>>
    tpu.enqueue_dma source(%arg12 : memref<1024x1024xf32, #tpu.memory_space<vmem>>) target(%dma_start3A_72 : memref<1024x1024xf32, #tpu.memory_space<any>>) target_semaphore(%arg15 : memref<!tpu.dma_semaphore, #tpu.memory_space<semaphore_mem>>)
    %dma_start3A_73 = arith.constant 0 : i32
    %dma_start3A_74 = arith.constant 2048 : i32
    %dma_start3A_75 = tpu.memref_slice %arg9[%dma_start3A_73, %dma_start3A_74] : memref<1024x65536xf32, #tpu.memory_space<any>> -> memref<1024x1024xf32, #tpu.memory_space<any>>
    tpu.enqueue_dma source(%arg12 : memref<1024x1024xf32, #tpu.memory_space<vmem>>) target(%dma_start3A_75 : memref<1024x1024xf32, #tpu.memory_space<any>>) target_semaphore(%arg15 : memref<!tpu.dma_semaphore, #tpu.memory_space<semaphore_mem>>)
    %dma_start3A_76 = arith.constant 0 : i32
    %dma_start3A_77 = arith.constant 3072 : i32
    %dma_start3A_78 = tpu.memref_slice %arg9[%dma_start3A_76, %dma_start3A_77] : memref<1024x65536xf32, #tpu.memory_space<any>> -> memref<1024x1024xf32, #tpu.memory_space<any>>
    tpu.enqueue_dma source(%arg12 : memref<1024x1024xf32, #tpu.memory_space<vmem>>) target(%dma_start3A_78 : memref<1024x1024xf32, #tpu.memory_space<any>>) target_semaphore(%arg15 : memref<!tpu.dma_semaphore, #tpu.memory_space<semaphore_mem>>)
    %dma_start3A_79 = arith.constant 0 : i32
    %dma_start3A_80 = arith.constant 4096 : i32
    %dma_start3A_81 = tpu.memref_slice %arg9[%dma_start3A_79, %dma_start3A_80] : memref<1024x65536xf32, #tpu.memory_space<any>> -> memref<1024x1024xf32, #tpu.memory_space<any>>
    tpu.enqueue_dma source(%arg12 : memref<1024x1024xf32, #tpu.memory_space<vmem>>) target(%dma_start3A_81 : memref<1024x1024xf32, #tpu.memory_space<any>>) target_semaphore(%arg15 : memref<!tpu.dma_semaphore, #tpu.memory_space<semaphore_mem>>)
    %dma_start3A_82 = arith.constant 0 : i32
    %dma_start3A_83 = arith.constant 5120 : i32
    %dma_start3A_84 = tpu.memref_slice %arg9[%dma_start3A_82, %dma_start3A_83] : memref<1024x65536xf32, #tpu.memory_space<any>> -> memref<1024x1024xf32, #tpu.memory_space<any>>
    tpu.enqueue_dma source(%arg12 : memref<1024x1024xf32, #tpu.memory_space<vmem>>) target(%dma_start3A_84 : memref<1024x1024xf32, #tpu.memory_space<any>>) target_semaphore(%arg15 : memref<!tpu.dma_semaphore, #tpu.memory_space<semaphore_mem>>)
    %dma_start3A_85 = arith.constant 0 : i32
    %dma_start3A_86 = arith.constant 6144 : i32
    %dma_start3A_87 = tpu.memref_slice %arg9[%dma_start3A_85, %dma_start3A_86] : memref<1024x65536xf32, #tpu.memory_space<any>> -> memref<1024x1024xf32, #tpu.memory_space<any>>
    tpu.enqueue_dma source(%arg12 : memref<1024x1024xf32, #tpu.memory_space<vmem>>) target(%dma_start3A_87 : memref<1024x1024xf32, #tpu.memory_space<any>>) target_semaphore(%arg15 : memref<!tpu.dma_semaphore, #tpu.memory_space<semaphore_mem>>)
    %dma_start3A_88 = arith.constant 0 : i32
    %dma_start3A_89 = arith.constant 7168 : i32
    %dma_start3A_90 = tpu.memref_slice %arg9[%dma_start3A_88, %dma_start3A_89] : memref<1024x65536xf32, #tpu.memory_space<any>> -> memref<1024x1024xf32, #tpu.memory_space<any>>
    tpu.enqueue_dma source(%arg12 : memref<1024x1024xf32, #tpu.memory_space<vmem>>) target(%dma_start3A_90 : memref<1024x1024xf32, #tpu.memory_space<any>>) target_semaphore(%arg15 : memref<!tpu.dma_semaphore, #tpu.memory_space<semaphore_mem>>)
    %dma_start3A_91 = arith.constant 0 : i32
    %dma_start3A_92 = arith.constant 8192 : i32
    %dma_start3A_93 = tpu.memref_slice %arg9[%dma_start3A_91, %dma_start3A_92] : memref<1024x65536xf32, #tpu.memory_space<any>> -> memref<1024x1024xf32, #tpu.memory_space<any>>
    tpu.enqueue_dma source(%arg12 : memref<1024x1024xf32, #tpu.memory_space<vmem>>) target(%dma_start3A_93 : memref<1024x1024xf32, #tpu.memory_space<any>>) target_semaphore(%arg15 : memref<!tpu.dma_semaphore, #tpu.memory_space<semaphore_mem>>)
    %dma_start3A_94 = arith.constant 0 : i32
    %dma_start3A_95 = arith.constant 9216 : i32
    %dma_start3A_96 = tpu.memref_slice %arg9[%dma_start3A_94, %dma_start3A_95] : memref<1024x65536xf32, #tpu.memory_space<any>> -> memref<1024x1024xf32, #tpu.memory_space<any>>
    tpu.enqueue_dma source(%arg12 : memref<1024x1024xf32, #tpu.memory_space<vmem>>) target(%dma_start3A_96 : memref<1024x1024xf32, #tpu.memory_space<any>>) target_semaphore(%arg15 : memref<!tpu.dma_semaphore, #tpu.memory_space<semaphore_mem>>)
    %dma_start3A_97 = arith.constant 0 : i32
    %dma_start3A_98 = arith.constant 10240 : i32
    %dma_start3A_99 = tpu.memref_slice %arg9[%dma_start3A_97, %dma_start3A_98] : memref<1024x65536xf32, #tpu.memory_space<any>> -> memref<1024x1024xf32, #tpu.memory_space<any>>
    tpu.enqueue_dma source(%arg12 : memref<1024x1024xf32, #tpu.memory_space<vmem>>) target(%dma_start3A_99 : memref<1024x1024xf32, #tpu.memory_space<any>>) target_semaphore(%arg15 : memref<!tpu.dma_semaphore, #tpu.memory_space<semaphore_mem>>)
    %dma_start3A_100 = arith.constant 0 : i32
    %dma_start3A_101 = arith.constant 11264 : i32
    %dma_start3A_102 = tpu.memref_slice %arg9[%dma_start3A_100, %dma_start3A_101] : memref<1024x65536xf32, #tpu.memory_space<any>> -> memref<1024x1024xf32, #tpu.memory_space<any>>
    tpu.enqueue_dma source(%arg12 : memref<1024x1024xf32, #tpu.memory_space<vmem>>) target(%dma_start3A_102 : memref<1024x1024xf32, #tpu.memory_space<any>>) target_semaphore(%arg15 : memref<!tpu.dma_semaphore, #tpu.memory_space<semaphore_mem>>)
    %dma_start3A_103 = arith.constant 0 : i32
    %dma_start3A_104 = arith.constant 12288 : i32
    %dma_start3A_105 = tpu.memref_slice %arg9[%dma_start3A_103, %dma_start3A_104] : memref<1024x65536xf32, #tpu.memory_space<any>> -> memref<1024x1024xf32, #tpu.memory_space<any>>
    tpu.enqueue_dma source(%arg12 : memref<1024x1024xf32, #tpu.memory_space<vmem>>) target(%dma_start3A_105 : memref<1024x1024xf32, #tpu.memory_space<any>>) target_semaphore(%arg15 : memref<!tpu.dma_semaphore, #tpu.memory_space<semaphore_mem>>)
    %dma_start3A_106 = arith.constant 0 : i32
    %dma_start3A_107 = arith.constant 13312 : i32
    %dma_start3A_108 = tpu.memref_slice %arg9[%dma_start3A_106, %dma_start3A_107] : memref<1024x65536xf32, #tpu.memory_space<any>> -> memref<1024x1024xf32, #tpu.memory_space<any>>
    tpu.enqueue_dma source(%arg12 : memref<1024x1024xf32, #tpu.memory_space<vmem>>) target(%dma_start3A_108 : memref<1024x1024xf32, #tpu.memory_space<any>>) target_semaphore(%arg15 : memref<!tpu.dma_semaphore, #tpu.memory_space<semaphore_mem>>)
    %dma_start3A_109 = arith.constant 0 : i32
    %dma_start3A_110 = arith.constant 14336 : i32
    %dma_start3A_111 = tpu.memref_slice %arg9[%dma_start3A_109, %dma_start3A_110] : memref<1024x65536xf32, #tpu.memory_space<any>> -> memref<1024x1024xf32, #tpu.memory_space<any>>
    tpu.enqueue_dma source(%arg12 : memref<1024x1024xf32, #tpu.memory_space<vmem>>) target(%dma_start3A_111 : memref<1024x1024xf32, #tpu.memory_space<any>>) target_semaphore(%arg15 : memref<!tpu.dma_semaphore, #tpu.memory_space<semaphore_mem>>)
    %dma_start3A_112 = arith.constant 0 : i32
    %dma_start3A_113 = arith.constant 15360 : i32
    %dma_start3A_114 = tpu.memref_slice %arg9[%dma_start3A_112, %dma_start3A_113] : memref<1024x65536xf32, #tpu.memory_space<any>> -> memref<1024x1024xf32, #tpu.memory_space<any>>
    tpu.enqueue_dma source(%arg12 : memref<1024x1024xf32, #tpu.memory_space<vmem>>) target(%dma_start3A_114 : memref<1024x1024xf32, #tpu.memory_space<any>>) target_semaphore(%arg15 : memref<!tpu.dma_semaphore, #tpu.memory_space<semaphore_mem>>)
    %dma_start3A_115 = arith.constant 0 : i32
    %dma_start3A_116 = arith.constant 16384 : i32
    %dma_start3A_117 = tpu.memref_slice %arg9[%dma_start3A_115, %dma_start3A_116] : memref<1024x65536xf32, #tpu.memory_space<any>> -> memref<1024x1024xf32, #tpu.memory_space<any>>
    tpu.enqueue_dma source(%arg12 : memref<1024x1024xf32, #tpu.memory_space<vmem>>) target(%dma_start3A_117 : memref<1024x1024xf32, #tpu.memory_space<any>>) target_semaphore(%arg15 : memref<!tpu.dma_semaphore, #tpu.memory_space<semaphore_mem>>)
    %dma_start3A_118 = arith.constant 0 : i32
    %dma_start3A_119 = arith.constant 17408 : i32
    %dma_start3A_120 = tpu.memref_slice %arg9[%dma_start3A_118, %dma_start3A_119] : memref<1024x65536xf32, #tpu.memory_space<any>> -> memref<1024x1024xf32, #tpu.memory_space<any>>
    tpu.enqueue_dma source(%arg12 : memref<1024x1024xf32, #tpu.memory_space<vmem>>) target(%dma_start3A_120 : memref<1024x1024xf32, #tpu.memory_space<any>>) target_semaphore(%arg15 : memref<!tpu.dma_semaphore, #tpu.memory_space<semaphore_mem>>)
    %dma_start3A_121 = arith.constant 0 : i32
    %dma_start3A_122 = arith.constant 18432 : i32
    %dma_start3A_123 = tpu.memref_slice %arg9[%dma_start3A_121, %dma_start3A_122] : memref<1024x65536xf32, #tpu.memory_space<any>> -> memref<1024x1024xf32, #tpu.memory_space<any>>
    tpu.enqueue_dma source(%arg12 : memref<1024x1024xf32, #tpu.memory_space<vmem>>) target(%dma_start3A_123 : memref<1024x1024xf32, #tpu.memory_space<any>>) target_semaphore(%arg15 : memref<!tpu.dma_semaphore, #tpu.memory_space<semaphore_mem>>)
    %dma_start3A_124 = arith.constant 0 : i32
    %dma_start3A_125 = arith.constant 19456 : i32
    %dma_start3A_126 = tpu.memref_slice %arg9[%dma_start3A_124, %dma_start3A_125] : memref<1024x65536xf32, #tpu.memory_space<any>> -> memref<1024x1024xf32, #tpu.memory_space<any>>
    tpu.enqueue_dma source(%arg12 : memref<1024x1024xf32, #tpu.memory_space<vmem>>) target(%dma_start3A_126 : memref<1024x1024xf32, #tpu.memory_space<any>>) target_semaphore(%arg15 : memref<!tpu.dma_semaphore, #tpu.memory_space<semaphore_mem>>)
    %dma_start3A_127 = arith.constant 0 : i32
    %dma_start3A_128 = arith.constant 20480 : i32
    %dma_start3A_129 = tpu.memref_slice %arg9[%dma_start3A_127, %dma_start3A_128] : memref<1024x65536xf32, #tpu.memory_space<any>> -> memref<1024x1024xf32, #tpu.memory_space<any>>
    tpu.enqueue_dma source(%arg12 : memref<1024x1024xf32, #tpu.memory_space<vmem>>) target(%dma_start3A_129 : memref<1024x1024xf32, #tpu.memory_space<any>>) target_semaphore(%arg15 : memref<!tpu.dma_semaphore, #tpu.memory_space<semaphore_mem>>)
    %dma_start3A_130 = arith.constant 0 : i32
    %dma_start3A_131 = arith.constant 21504 : i32
    %dma_start3A_132 = tpu.memref_slice %arg9[%dma_start3A_130, %dma_start3A_131] : memref<1024x65536xf32, #tpu.memory_space<any>> -> memref<1024x1024xf32, #tpu.memory_space<any>>
    tpu.enqueue_dma source(%arg12 : memref<1024x1024xf32, #tpu.memory_space<vmem>>) target(%dma_start3A_132 : memref<1024x1024xf32, #tpu.memory_space<any>>) target_semaphore(%arg15 : memref<!tpu.dma_semaphore, #tpu.memory_space<semaphore_mem>>)
    %dma_start3A_133 = arith.constant 0 : i32
    %dma_start3A_134 = arith.constant 22528 : i32
    %dma_start3A_135 = tpu.memref_slice %arg9[%dma_start3A_133, %dma_start3A_134] : memref<1024x65536xf32, #tpu.memory_space<any>> -> memref<1024x1024xf32, #tpu.memory_space<any>>
    tpu.enqueue_dma source(%arg12 : memref<1024x1024xf32, #tpu.memory_space<vmem>>) target(%dma_start3A_135 : memref<1024x1024xf32, #tpu.memory_space<any>>) target_semaphore(%arg15 : memref<!tpu.dma_semaphore, #tpu.memory_space<semaphore_mem>>)
    %dma_start3A_136 = arith.constant 0 : i32
    %dma_start3A_137 = arith.constant 23552 : i32
    %dma_start3A_138 = tpu.memref_slice %arg9[%dma_start3A_136, %dma_start3A_137] : memref<1024x65536xf32, #tpu.memory_space<any>> -> memref<1024x1024xf32, #tpu.memory_space<any>>
    tpu.enqueue_dma source(%arg12 : memref<1024x1024xf32, #tpu.memory_space<vmem>>) target(%dma_start3A_138 : memref<1024x1024xf32, #tpu.memory_space<any>>) target_semaphore(%arg15 : memref<!tpu.dma_semaphore, #tpu.memory_space<semaphore_mem>>)
    %dma_start3A_139 = arith.constant 0 : i32
    %dma_start3A_140 = arith.constant 24576 : i32
    %dma_start3A_141 = tpu.memref_slice %arg9[%dma_start3A_139, %dma_start3A_140] : memref<1024x65536xf32, #tpu.memory_space<any>> -> memref<1024x1024xf32, #tpu.memory_space<any>>
    tpu.enqueue_dma source(%arg12 : memref<1024x1024xf32, #tpu.memory_space<vmem>>) target(%dma_start3A_141 : memref<1024x1024xf32, #tpu.memory_space<any>>) target_semaphore(%arg15 : memref<!tpu.dma_semaphore, #tpu.memory_space<semaphore_mem>>)
    %dma_start3A_142 = arith.constant 0 : i32
    %dma_start3A_143 = arith.constant 25600 : i32
    %dma_start3A_144 = tpu.memref_slice %arg9[%dma_start3A_142, %dma_start3A_143] : memref<1024x65536xf32, #tpu.memory_space<any>> -> memref<1024x1024xf32, #tpu.memory_space<any>>
    tpu.enqueue_dma source(%arg12 : memref<1024x1024xf32, #tpu.memory_space<vmem>>) target(%dma_start3A_144 : memref<1024x1024xf32, #tpu.memory_space<any>>) target_semaphore(%arg15 : memref<!tpu.dma_semaphore, #tpu.memory_space<semaphore_mem>>)
    %dma_start3A_145 = arith.constant 0 : i32
    %dma_start3A_146 = arith.constant 26624 : i32
    %dma_start3A_147 = tpu.memref_slice %arg9[%dma_start3A_145, %dma_start3A_146] : memref<1024x65536xf32, #tpu.memory_space<any>> -> memref<1024x1024xf32, #tpu.memory_space<any>>
    tpu.enqueue_dma source(%arg12 : memref<1024x1024xf32, #tpu.memory_space<vmem>>) target(%dma_start3A_147 : memref<1024x1024xf32, #tpu.memory_space<any>>) target_semaphore(%arg15 : memref<!tpu.dma_semaphore, #tpu.memory_space<semaphore_mem>>)
    %dma_start3A_148 = arith.constant 0 : i32
    %dma_start3A_149 = arith.constant 27648 : i32
    %dma_start3A_150 = tpu.memref_slice %arg9[%dma_start3A_148, %dma_start3A_149] : memref<1024x65536xf32, #tpu.memory_space<any>> -> memref<1024x1024xf32, #tpu.memory_space<any>>
    tpu.enqueue_dma source(%arg12 : memref<1024x1024xf32, #tpu.memory_space<vmem>>) target(%dma_start3A_150 : memref<1024x1024xf32, #tpu.memory_space<any>>) target_semaphore(%arg15 : memref<!tpu.dma_semaphore, #tpu.memory_space<semaphore_mem>>)
    %dma_start3A_151 = arith.constant 0 : i32
    %dma_start3A_152 = arith.constant 28672 : i32
    %dma_start3A_153 = tpu.memref_slice %arg9[%dma_start3A_151, %dma_start3A_152] : memref<1024x65536xf32, #tpu.memory_space<any>> -> memref<1024x1024xf32, #tpu.memory_space<any>>
    tpu.enqueue_dma source(%arg12 : memref<1024x1024xf32, #tpu.memory_space<vmem>>) target(%dma_start3A_153 : memref<1024x1024xf32, #tpu.memory_space<any>>) target_semaphore(%arg15 : memref<!tpu.dma_semaphore, #tpu.memory_space<semaphore_mem>>)
    %dma_start3A_154 = arith.constant 0 : i32
    %dma_start3A_155 = arith.constant 29696 : i32
    %dma_start3A_156 = tpu.memref_slice %arg9[%dma_start3A_154, %dma_start3A_155] : memref<1024x65536xf32, #tpu.memory_space<any>> -> memref<1024x1024xf32, #tpu.memory_space<any>>
    tpu.enqueue_dma source(%arg12 : memref<1024x1024xf32, #tpu.memory_space<vmem>>) target(%dma_start3A_156 : memref<1024x1024xf32, #tpu.memory_space<any>>) target_semaphore(%arg15 : memref<!tpu.dma_semaphore, #tpu.memory_space<semaphore_mem>>)
    %dma_start3A_157 = arith.constant 0 : i32
    %dma_start3A_158 = arith.constant 30720 : i32
    %dma_start3A_159 = tpu.memref_slice %arg9[%dma_start3A_157, %dma_start3A_158] : memref<1024x65536xf32, #tpu.memory_space<any>> -> memref<1024x1024xf32, #tpu.memory_space<any>>
    tpu.enqueue_dma source(%arg12 : memref<1024x1024xf32, #tpu.memory_space<vmem>>) target(%dma_start3A_159 : memref<1024x1024xf32, #tpu.memory_space<any>>) target_semaphore(%arg15 : memref<!tpu.dma_semaphore, #tpu.memory_space<semaphore_mem>>)
    %dma_start3A_160 = arith.constant 0 : i32
    %dma_start3A_161 = arith.constant 31744 : i32
    %dma_start3A_162 = tpu.memref_slice %arg9[%dma_start3A_160, %dma_start3A_161] : memref<1024x65536xf32, #tpu.memory_space<any>> -> memref<1024x1024xf32, #tpu.memory_space<any>>
    tpu.enqueue_dma source(%arg12 : memref<1024x1024xf32, #tpu.memory_space<vmem>>) target(%dma_start3A_162 : memref<1024x1024xf32, #tpu.memory_space<any>>) target_semaphore(%arg15 : memref<!tpu.dma_semaphore, #tpu.memory_space<semaphore_mem>>)
    %dma_start3A_163 = arith.constant 0 : i32
    %dma_start3A_164 = arith.constant 32768 : i32
    %dma_start3A_165 = tpu.memref_slice %arg9[%dma_start3A_163, %dma_start3A_164] : memref<1024x65536xf32, #tpu.memory_space<any>> -> memref<1024x1024xf32, #tpu.memory_space<any>>
    tpu.enqueue_dma source(%arg12 : memref<1024x1024xf32, #tpu.memory_space<vmem>>) target(%dma_start3A_165 : memref<1024x1024xf32, #tpu.memory_space<any>>) target_semaphore(%arg15 : memref<!tpu.dma_semaphore, #tpu.memory_space<semaphore_mem>>)
    %dma_start3A_166 = arith.constant 0 : i32
    %dma_start3A_167 = arith.constant 33792 : i32
    %dma_start3A_168 = tpu.memref_slice %arg9[%dma_start3A_166, %dma_start3A_167] : memref<1024x65536xf32, #tpu.memory_space<any>> -> memref<1024x1024xf32, #tpu.memory_space<any>>
    tpu.enqueue_dma source(%arg12 : memref<1024x1024xf32, #tpu.memory_space<vmem>>) target(%dma_start3A_168 : memref<1024x1024xf32, #tpu.memory_space<any>>) target_semaphore(%arg15 : memref<!tpu.dma_semaphore, #tpu.memory_space<semaphore_mem>>)
    %dma_start3A_169 = arith.constant 0 : i32
    %dma_start3A_170 = arith.constant 34816 : i32
    %dma_start3A_171 = tpu.memref_slice %arg9[%dma_start3A_169, %dma_start3A_170] : memref<1024x65536xf32, #tpu.memory_space<any>> -> memref<1024x1024xf32, #tpu.memory_space<any>>
    tpu.enqueue_dma source(%arg12 : memref<1024x1024xf32, #tpu.memory_space<vmem>>) target(%dma_start3A_171 : memref<1024x1024xf32, #tpu.memory_space<any>>) target_semaphore(%arg15 : memref<!tpu.dma_semaphore, #tpu.memory_space<semaphore_mem>>)
    %dma_start3A_172 = arith.constant 0 : i32
    %dma_start3A_173 = arith.constant 35840 : i32
    %dma_start3A_174 = tpu.memref_slice %arg9[%dma_start3A_172, %dma_start3A_173] : memref<1024x65536xf32, #tpu.memory_space<any>> -> memref<1024x1024xf32, #tpu.memory_space<any>>
    tpu.enqueue_dma source(%arg12 : memref<1024x1024xf32, #tpu.memory_space<vmem>>) target(%dma_start3A_174 : memref<1024x1024xf32, #tpu.memory_space<any>>) target_semaphore(%arg15 : memref<!tpu.dma_semaphore, #tpu.memory_space<semaphore_mem>>)
    %dma_start3A_175 = arith.constant 0 : i32
    %dma_start3A_176 = arith.constant 36864 : i32
    %dma_start3A_177 = tpu.memref_slice %arg9[%dma_start3A_175, %dma_start3A_176] : memref<1024x65536xf32, #tpu.memory_space<any>> -> memref<1024x1024xf32, #tpu.memory_space<any>>
    tpu.enqueue_dma source(%arg12 : memref<1024x1024xf32, #tpu.memory_space<vmem>>) target(%dma_start3A_177 : memref<1024x1024xf32, #tpu.memory_space<any>>) target_semaphore(%arg15 : memref<!tpu.dma_semaphore, #tpu.memory_space<semaphore_mem>>)
    %dma_start3A_178 = arith.constant 0 : i32
    %dma_start3A_179 = arith.constant 37888 : i32
    %dma_start3A_180 = tpu.memref_slice %arg9[%dma_start3A_178, %dma_start3A_179] : memref<1024x65536xf32, #tpu.memory_space<any>> -> memref<1024x1024xf32, #tpu.memory_space<any>>
    tpu.enqueue_dma source(%arg12 : memref<1024x1024xf32, #tpu.memory_space<vmem>>) target(%dma_start3A_180 : memref<1024x1024xf32, #tpu.memory_space<any>>) target_semaphore(%arg15 : memref<!tpu.dma_semaphore, #tpu.memory_space<semaphore_mem>>)
    %dma_start3A_181 = arith.constant 0 : i32
    %dma_start3A_182 = arith.constant 38912 : i32
    %dma_start3A_183 = tpu.memref_slice %arg9[%dma_start3A_181, %dma_start3A_182] : memref<1024x65536xf32, #tpu.memory_space<any>> -> memref<1024x1024xf32, #tpu.memory_space<any>>
    tpu.enqueue_dma source(%arg12 : memref<1024x1024xf32, #tpu.memory_space<vmem>>) target(%dma_start3A_183 : memref<1024x1024xf32, #tpu.memory_space<any>>) target_semaphore(%arg15 : memref<!tpu.dma_semaphore, #tpu.memory_space<semaphore_mem>>)
    %dma_start3A_184 = arith.constant 0 : i32
    %dma_start3A_185 = arith.constant 39936 : i32
    %dma_start3A_186 = tpu.memref_slice %arg9[%dma_start3A_184, %dma_start3A_185] : memref<1024x65536xf32, #tpu.memory_space<any>> -> memref<1024x1024xf32, #tpu.memory_space<any>>
    tpu.enqueue_dma source(%arg12 : memref<1024x1024xf32, #tpu.memory_space<vmem>>) target(%dma_start3A_186 : memref<1024x1024xf32, #tpu.memory_space<any>>) target_semaphore(%arg15 : memref<!tpu.dma_semaphore, #tpu.memory_space<semaphore_mem>>)
    %dma_start3A_187 = arith.constant 0 : i32
    %dma_start3A_188 = arith.constant 40960 : i32
    %dma_start3A_189 = tpu.memref_slice %arg9[%dma_start3A_187, %dma_start3A_188] : memref<1024x65536xf32, #tpu.memory_space<any>> -> memref<1024x1024xf32, #tpu.memory_space<any>>
    tpu.enqueue_dma source(%arg12 : memref<1024x1024xf32, #tpu.memory_space<vmem>>) target(%dma_start3A_189 : memref<1024x1024xf32, #tpu.memory_space<any>>) target_semaphore(%arg15 : memref<!tpu.dma_semaphore, #tpu.memory_space<semaphore_mem>>)
    %dma_start3A_190 = arith.constant 0 : i32
    %dma_start3A_191 = arith.constant 41984 : i32
    %dma_start3A_192 = tpu.memref_slice %arg9[%dma_start3A_190, %dma_start3A_191] : memref<1024x65536xf32, #tpu.memory_space<any>> -> memref<1024x1024xf32, #tpu.memory_space<any>>
    tpu.enqueue_dma source(%arg12 : memref<1024x1024xf32, #tpu.memory_space<vmem>>) target(%dma_start3A_192 : memref<1024x1024xf32, #tpu.memory_space<any>>) target_semaphore(%arg15 : memref<!tpu.dma_semaphore, #tpu.memory_space<semaphore_mem>>)
    %dma_start3A_193 = arith.constant 0 : i32
    %dma_start3A_194 = arith.constant 43008 : i32
    %dma_start3A_195 = tpu.memref_slice %arg9[%dma_start3A_193, %dma_start3A_194] : memref<1024x65536xf32, #tpu.memory_space<any>> -> memref<1024x1024xf32, #tpu.memory_space<any>>
    tpu.enqueue_dma source(%arg12 : memref<1024x1024xf32, #tpu.memory_space<vmem>>) target(%dma_start3A_195 : memref<1024x1024xf32, #tpu.memory_space<any>>) target_semaphore(%arg15 : memref<!tpu.dma_semaphore, #tpu.memory_space<semaphore_mem>>)
    %dma_start3A_196 = arith.constant 0 : i32
    %dma_start3A_197 = arith.constant 44032 : i32
    %dma_start3A_198 = tpu.memref_slice %arg9[%dma_start3A_196, %dma_start3A_197] : memref<1024x65536xf32, #tpu.memory_space<any>> -> memref<1024x1024xf32, #tpu.memory_space<any>>
    tpu.enqueue_dma source(%arg12 : memref<1024x1024xf32, #tpu.memory_space<vmem>>) target(%dma_start3A_198 : memref<1024x1024xf32, #tpu.memory_space<any>>) target_semaphore(%arg15 : memref<!tpu.dma_semaphore, #tpu.memory_space<semaphore_mem>>)
    %dma_start3A_199 = arith.constant 0 : i32
    %dma_start3A_200 = arith.constant 45056 : i32
    %dma_start3A_201 = tpu.memref_slice %arg9[%dma_start3A_199, %dma_start3A_200] : memref<1024x65536xf32, #tpu.memory_space<any>> -> memref<1024x1024xf32, #tpu.memory_space<any>>
    tpu.enqueue_dma source(%arg12 : memref<1024x1024xf32, #tpu.memory_space<vmem>>) target(%dma_start3A_201 : memref<1024x1024xf32, #tpu.memory_space<any>>) target_semaphore(%arg15 : memref<!tpu.dma_semaphore, #tpu.memory_space<semaphore_mem>>)
    %dma_start3A_202 = arith.constant 0 : i32
    %dma_start3A_203 = arith.constant 46080 : i32
    %dma_start3A_204 = tpu.memref_slice %arg9[%dma_start3A_202, %dma_start3A_203] : memref<1024x65536xf32, #tpu.memory_space<any>> -> memref<1024x1024xf32, #tpu.memory_space<any>>
    tpu.enqueue_dma source(%arg12 : memref<1024x1024xf32, #tpu.memory_space<vmem>>) target(%dma_start3A_204 : memref<1024x1024xf32, #tpu.memory_space<any>>) target_semaphore(%arg15 : memref<!tpu.dma_semaphore, #tpu.memory_space<semaphore_mem>>)
    %dma_start3A_205 = arith.constant 0 : i32
    %dma_start3A_206 = arith.constant 47104 : i32
    %dma_start3A_207 = tpu.memref_slice %arg9[%dma_start3A_205, %dma_start3A_206] : memref<1024x65536xf32, #tpu.memory_space<any>> -> memref<1024x1024xf32, #tpu.memory_space<any>>
    tpu.enqueue_dma source(%arg12 : memref<1024x1024xf32, #tpu.memory_space<vmem>>) target(%dma_start3A_207 : memref<1024x1024xf32, #tpu.memory_space<any>>) target_semaphore(%arg15 : memref<!tpu.dma_semaphore, #tpu.memory_space<semaphore_mem>>)
    %dma_start3A_208 = arith.constant 0 : i32
    %dma_start3A_209 = arith.constant 48128 : i32
    %dma_start3A_210 = tpu.memref_slice %arg9[%dma_start3A_208, %dma_start3A_209] : memref<1024x65536xf32, #tpu.memory_space<any>> -> memref<1024x1024xf32, #tpu.memory_space<any>>
    tpu.enqueue_dma source(%arg12 : memref<1024x1024xf32, #tpu.memory_space<vmem>>) target(%dma_start3A_210 : memref<1024x1024xf32, #tpu.memory_space<any>>) target_semaphore(%arg15 : memref<!tpu.dma_semaphore, #tpu.memory_space<semaphore_mem>>)
    %dma_start3A_211 = arith.constant 0 : i32
    %dma_start3A_212 = arith.constant 49152 : i32
    %dma_start3A_213 = tpu.memref_slice %arg9[%dma_start3A_211, %dma_start3A_212] : memref<1024x65536xf32, #tpu.memory_space<any>> -> memref<1024x1024xf32, #tpu.memory_space<any>>
    tpu.enqueue_dma source(%arg12 : memref<1024x1024xf32, #tpu.memory_space<vmem>>) target(%dma_start3A_213 : memref<1024x1024xf32, #tpu.memory_space<any>>) target_semaphore(%arg15 : memref<!tpu.dma_semaphore, #tpu.memory_space<semaphore_mem>>)
    %dma_start3A_214 = arith.constant 0 : i32
    %dma_start3A_215 = arith.constant 50176 : i32
    %dma_start3A_216 = tpu.memref_slice %arg9[%dma_start3A_214, %dma_start3A_215] : memref<1024x65536xf32, #tpu.memory_space<any>> -> memref<1024x1024xf32, #tpu.memory_space<any>>
    tpu.enqueue_dma source(%arg12 : memref<1024x1024xf32, #tpu.memory_space<vmem>>) target(%dma_start3A_216 : memref<1024x1024xf32, #tpu.memory_space<any>>) target_semaphore(%arg15 : memref<!tpu.dma_semaphore, #tpu.memory_space<semaphore_mem>>)
    %dma_start3A_217 = arith.constant 0 : i32
    %dma_start3A_218 = arith.constant 51200 : i32
    %dma_start3A_219 = tpu.memref_slice %arg9[%dma_start3A_217, %dma_start3A_218] : memref<1024x65536xf32, #tpu.memory_space<any>> -> memref<1024x1024xf32, #tpu.memory_space<any>>
    tpu.enqueue_dma source(%arg12 : memref<1024x1024xf32, #tpu.memory_space<vmem>>) target(%dma_start3A_219 : memref<1024x1024xf32, #tpu.memory_space<any>>) target_semaphore(%arg15 : memref<!tpu.dma_semaphore, #tpu.memory_space<semaphore_mem>>)
    %dma_start3A_220 = arith.constant 0 : i32
    %dma_start3A_221 = arith.constant 52224 : i32
    %dma_start3A_222 = tpu.memref_slice %arg9[%dma_start3A_220, %dma_start3A_221] : memref<1024x65536xf32, #tpu.memory_space<any>> -> memref<1024x1024xf32, #tpu.memory_space<any>>
    tpu.enqueue_dma source(%arg12 : memref<1024x1024xf32, #tpu.memory_space<vmem>>) target(%dma_start3A_222 : memref<1024x1024xf32, #tpu.memory_space<any>>) target_semaphore(%arg15 : memref<!tpu.dma_semaphore, #tpu.memory_space<semaphore_mem>>)
    %dma_start3A_223 = arith.constant 0 : i32
    %dma_start3A_224 = arith.constant 53248 : i32
    %dma_start3A_225 = tpu.memref_slice %arg9[%dma_start3A_223, %dma_start3A_224] : memref<1024x65536xf32, #tpu.memory_space<any>> -> memref<1024x1024xf32, #tpu.memory_space<any>>
    tpu.enqueue_dma source(%arg12 : memref<1024x1024xf32, #tpu.memory_space<vmem>>) target(%dma_start3A_225 : memref<1024x1024xf32, #tpu.memory_space<any>>) target_semaphore(%arg15 : memref<!tpu.dma_semaphore, #tpu.memory_space<semaphore_mem>>)
    %dma_start3A_226 = arith.constant 0 : i32
    %dma_start3A_227 = arith.constant 54272 : i32
    %dma_start3A_228 = tpu.memref_slice %arg9[%dma_start3A_226, %dma_start3A_227] : memref<1024x65536xf32, #tpu.memory_space<any>> -> memref<1024x1024xf32, #tpu.memory_space<any>>
    tpu.enqueue_dma source(%arg12 : memref<1024x1024xf32, #tpu.memory_space<vmem>>) target(%dma_start3A_228 : memref<1024x1024xf32, #tpu.memory_space<any>>) target_semaphore(%arg15 : memref<!tpu.dma_semaphore, #tpu.memory_space<semaphore_mem>>)
    %dma_start3A_229 = arith.constant 0 : i32
    %dma_start3A_230 = arith.constant 55296 : i32
    %dma_start3A_231 = tpu.memref_slice %arg9[%dma_start3A_229, %dma_start3A_230] : memref<1024x65536xf32, #tpu.memory_space<any>> -> memref<1024x1024xf32, #tpu.memory_space<any>>
    tpu.enqueue_dma source(%arg12 : memref<1024x1024xf32, #tpu.memory_space<vmem>>) target(%dma_start3A_231 : memref<1024x1024xf32, #tpu.memory_space<any>>) target_semaphore(%arg15 : memref<!tpu.dma_semaphore, #tpu.memory_space<semaphore_mem>>)
    %dma_start3A_232 = arith.constant 0 : i32
    %dma_start3A_233 = arith.constant 56320 : i32
    %dma_start3A_234 = tpu.memref_slice %arg9[%dma_start3A_232, %dma_start3A_233] : memref<1024x65536xf32, #tpu.memory_space<any>> -> memref<1024x1024xf32, #tpu.memory_space<any>>
    tpu.enqueue_dma source(%arg12 : memref<1024x1024xf32, #tpu.memory_space<vmem>>) target(%dma_start3A_234 : memref<1024x1024xf32, #tpu.memory_space<any>>) target_semaphore(%arg15 : memref<!tpu.dma_semaphore, #tpu.memory_space<semaphore_mem>>)
    %dma_start3A_235 = arith.constant 0 : i32
    %dma_start3A_236 = arith.constant 57344 : i32
    %dma_start3A_237 = tpu.memref_slice %arg9[%dma_start3A_235, %dma_start3A_236] : memref<1024x65536xf32, #tpu.memory_space<any>> -> memref<1024x1024xf32, #tpu.memory_space<any>>
    tpu.enqueue_dma source(%arg12 : memref<1024x1024xf32, #tpu.memory_space<vmem>>) target(%dma_start3A_237 : memref<1024x1024xf32, #tpu.memory_space<any>>) target_semaphore(%arg15 : memref<!tpu.dma_semaphore, #tpu.memory_space<semaphore_mem>>)
    %dma_start3A_238 = arith.constant 0 : i32
    %dma_start3A_239 = arith.constant 58368 : i32
    %dma_start3A_240 = tpu.memref_slice %arg9[%dma_start3A_238, %dma_start3A_239] : memref<1024x65536xf32, #tpu.memory_space<any>> -> memref<1024x1024xf32, #tpu.memory_space<any>>
    tpu.enqueue_dma source(%arg12 : memref<1024x1024xf32, #tpu.memory_space<vmem>>) target(%dma_start3A_240 : memref<1024x1024xf32, #tpu.memory_space<any>>) target_semaphore(%arg15 : memref<!tpu.dma_semaphore, #tpu.memory_space<semaphore_mem>>)
    %dma_start3A_241 = arith.constant 0 : i32
    %dma_start3A_242 = arith.constant 59392 : i32
    %dma_start3A_243 = tpu.memref_slice %arg9[%dma_start3A_241, %dma_start3A_242] : memref<1024x65536xf32, #tpu.memory_space<any>> -> memref<1024x1024xf32, #tpu.memory_space<any>>
    tpu.enqueue_dma source(%arg12 : memref<1024x1024xf32, #tpu.memory_space<vmem>>) target(%dma_start3A_243 : memref<1024x1024xf32, #tpu.memory_space<any>>) target_semaphore(%arg15 : memref<!tpu.dma_semaphore, #tpu.memory_space<semaphore_mem>>)
    %dma_start3A_244 = arith.constant 0 : i32
    %dma_start3A_245 = arith.constant 60416 : i32
    %dma_start3A_246 = tpu.memref_slice %arg9[%dma_start3A_244, %dma_start3A_245] : memref<1024x65536xf32, #tpu.memory_space<any>> -> memref<1024x1024xf32, #tpu.memory_space<any>>
    tpu.enqueue_dma source(%arg12 : memref<1024x1024xf32, #tpu.memory_space<vmem>>) target(%dma_start3A_246 : memref<1024x1024xf32, #tpu.memory_space<any>>) target_semaphore(%arg15 : memref<!tpu.dma_semaphore, #tpu.memory_space<semaphore_mem>>)
    %dma_start3A_247 = arith.constant 0 : i32
    %dma_start3A_248 = arith.constant 61440 : i32
    %dma_start3A_249 = tpu.memref_slice %arg9[%dma_start3A_247, %dma_start3A_248] : memref<1024x65536xf32, #tpu.memory_space<any>> -> memref<1024x1024xf32, #tpu.memory_space<any>>
    tpu.enqueue_dma source(%arg12 : memref<1024x1024xf32, #tpu.memory_space<vmem>>) target(%dma_start3A_249 : memref<1024x1024xf32, #tpu.memory_space<any>>) target_semaphore(%arg15 : memref<!tpu.dma_semaphore, #tpu.memory_space<semaphore_mem>>)
    %dma_start3A_250 = arith.constant 0 : i32
    %dma_start3A_251 = arith.constant 62464 : i32
    %dma_start3A_252 = tpu.memref_slice %arg9[%dma_start3A_250, %dma_start3A_251] : memref<1024x65536xf32, #tpu.memory_space<any>> -> memref<1024x1024xf32, #tpu.memory_space<any>>
    tpu.enqueue_dma source(%arg12 : memref<1024x1024xf32, #tpu.memory_space<vmem>>) target(%dma_start3A_252 : memref<1024x1024xf32, #tpu.memory_space<any>>) target_semaphore(%arg15 : memref<!tpu.dma_semaphore, #tpu.memory_space<semaphore_mem>>)
    %dma_start3A_253 = arith.constant 0 : i32
    %dma_start3A_254 = arith.constant 63488 : i32
    %dma_start3A_255 = tpu.memref_slice %arg9[%dma_start3A_253, %dma_start3A_254] : memref<1024x65536xf32, #tpu.memory_space<any>> -> memref<1024x1024xf32, #tpu.memory_space<any>>
    tpu.enqueue_dma source(%arg12 : memref<1024x1024xf32, #tpu.memory_space<vmem>>) target(%dma_start3A_255 : memref<1024x1024xf32, #tpu.memory_space<any>>) target_semaphore(%arg15 : memref<!tpu.dma_semaphore, #tpu.memory_space<semaphore_mem>>)
    %dma_start3A_256 = arith.constant 0 : i32
    %dma_start3A_257 = arith.constant 64512 : i32
    %dma_start3A_258 = tpu.memref_slice %arg9[%dma_start3A_256, %dma_start3A_257] : memref<1024x65536xf32, #tpu.memory_space<any>> -> memref<1024x1024xf32, #tpu.memory_space<any>>
    tpu.enqueue_dma source(%arg12 : memref<1024x1024xf32, #tpu.memory_space<vmem>>) target(%dma_start3A_258 : memref<1024x1024xf32, #tpu.memory_space<any>>) target_semaphore(%arg15 : memref<!tpu.dma_semaphore, #tpu.memory_space<semaphore_mem>>)
    %dot_general3A_259 = arith.constant dense<0.000000e+00> : vector<1024x64xf32>
    %dot_general3A_260 = tpu.matmul %div3A_59, %add3A_34, %dot_general3A_259 {dimension_numbers = #tpu.dot_dimension_numbers<[1], [0], [0], [1], [0, 0, 1, 1], [], []>, transpose_lhs_hint = false} : vector<1024x1024xf32>, vector<1024x64xf32>, vector<1024x64xf32> -> vector<1024x64xf32>
    %mul3A_261 = arith.constant 6.451200e+04 : f32
    %mul3A_262 = vector.broadcast %mul3A_261 : f32 to vector<1024x1xf32>
    %mul3A_263 = arith.mulf %mul3A_262, %div3A_60 : vector<1024x1xf32>
    %get3A_264 = arith.constant 0 : index
    %get3A_265 = arith.constant 0 : index
    %get3A_266 = vector.load %arg7[%get3A_264, %get3A_265] : memref<1x64xf32, #tpu.memory_space<vmem>>, vector<1x64xf32>
    %mul3A_267 = vector.broadcast %mul3A_263 : vector<1024x1xf32> to vector<1024x64xf32>
    %mul3A_268 = vector.broadcast %get3A_266 : vector<1x64xf32> to vector<1024x64xf32>
    %mul3A_269 = arith.mulf %mul3A_267, %mul3A_268 : vector<1024x64xf32>
    %add3A_270 = arith.addf %dot_general3A_260, %mul3A_269 : vector<1024x64xf32>
    %swap3A_271 = arith.constant 0 : index
    %swap3A_272 = arith.constant 0 : index
    %swap3A_273 = vector.load %arg13[%swap3A_271, %swap3A_272] : memref<1024x64xf32, #tpu.memory_space<vmem>>, vector<1024x64xf32>
    tpu.vector_store %arg13[%swap3A_271, %swap3A_272], %add3A_270 {strides = array<i32>} : memref<1024x64xf32, #tpu.memory_space<vmem>>, vector<1024x64xf32>,
    tpu.enqueue_dma source(%arg13 : memref<1024x64xf32, #tpu.memory_space<vmem>>) target(%arg8 : memref<1024x64xf32, #tpu.memory_space<any>>) target_semaphore(%arg15 : memref<!tpu.dma_semaphore, #tpu.memory_space<semaphore_mem>>)
    %reduce_sum3A_274 = vector.shape_cast %div3A_60 : vector<1024x1xf32> to vector<1x1024x1xf32>
    %reduce_sum3A_275 = arith.constant dense<0.000000e+00> : vector<1xf32>
    %reduce_sum3A_276 = vector.multi_reduction <add>, %reduce_sum3A_274, %reduce_sum3A_275 [1, 2] : vector<1x1024x1xf32> to vector<1xf32>
    %reduce_sum3A_277 = vector.shape_cast %reduce_sum3A_276 : vector<1xf32> to vector<1x1x1xf32>
    %reduce_sum3A_278 = vector.extract %reduce_sum3A_277[0, 0, 0] : f32 from vector<1x1x1xf32>
    %broadcast_in_dim3A_279 = vector.broadcast %reduce_sum3A_278 : f32 to vector<1x65536xf32>
    %swap3A_280 = arith.constant 0 : index
    %swap3A_281 = arith.constant 0 : index
    %swap3A_282 = vector.load %arg14[%swap3A_280, %swap3A_281] : memref<1x65536xf32, #tpu.memory_space<vmem>>, vector<1x65536xf32>
    tpu.vector_store %arg14[%swap3A_280, %swap3A_281], %broadcast_in_dim3A_279 {strides = array<i32>} : memref<1x65536xf32, #tpu.memory_space<vmem>>, vector<1x65536xf32>,
    %reduce_sum3A_283 = arith.constant dense<0.000000e+00> : vector<1024xf32>
    %reduce_sum3A_284 = vector.multi_reduction <add>, %div3A_59, %reduce_sum3A_283 [0] : vector<1024x1024xf32> to vector<1024xf32>
    %broadcast_in_dim3A_285 = vector.shape_cast %reduce_sum3A_284 : vector<1024xf32> to vector<1x1024xf32>
    %add3A_286 = arith.constant 1.000000e+00 : f32
    %add3A_287 = vector.broadcast %add3A_286 : f32 to vector<1x1024xf32>
    %add3A_288 = arith.addf %add3A_287, %broadcast_in_dim3A_285 : vector<1x1024xf32>
    %swap3A_289 = arith.constant 0 : index
    %swap3A_290 = arith.constant 0 : index
    %swap3A_291 = vector.load %arg14[%swap3A_289, %swap3A_290] : memref<1x65536xf32, #tpu.memory_space<vmem>>, vector<1x1024xf32>
    tpu.vector_store %arg14[%swap3A_289, %swap3A_290], %add3A_288 {strides = array<i32>} : memref<1x65536xf32, #tpu.memory_space<vmem>>, vector<1x1024xf32>,
    tpu.enqueue_dma source(%arg14 : memref<1x65536xf32, #tpu.memory_space<vmem>>) target(%arg10 : memref<1x65536xf32, #tpu.memory_space<any>>) target_semaphore(%arg15 : memref<!tpu.dma_semaphore, #tpu.memory_space<semaphore_mem>>)
    %dma_wait3A = arith.constant 0 : i32
    %dma_wait3A_292 = arith.constant 0 : i32
    %dma_wait3A_293 = tpu.memref_slice %arg9[%dma_wait3A, %dma_wait3A_292] : memref<1024x65536xf32, #tpu.memory_space<any>> -> memref<1024x1024xf32, #tpu.memory_space<any>>
    tpu.wait_dma2 semaphore(%arg15 : memref<!tpu.dma_semaphore, #tpu.memory_space<semaphore_mem>>) src(%arg11 : memref<1024x1024xf32, #tpu.memory_space<vmem>>) dst(%dma_wait3A_293 : memref<1024x1024xf32, #tpu.memory_space<any>>)
    %dma_wait3A_294 = arith.constant 0 : i32
    %dma_wait3A_295 = arith.constant 1024 : i32
    %dma_wait3A_296 = tpu.memref_slice %arg9[%dma_wait3A_294, %dma_wait3A_295] : memref<1024x65536xf32, #tpu.memory_space<any>> -> memref<1024x1024xf32, #tpu.memory_space<any>>
    tpu.wait_dma2 semaphore(%arg15 : memref<!tpu.dma_semaphore, #tpu.memory_space<semaphore_mem>>) src(%arg12 : memref<1024x1024xf32, #tpu.memory_space<vmem>>) dst(%dma_wait3A_296 : memref<1024x1024xf32, #tpu.memory_space<any>>)
    %dma_wait3A_297 = arith.constant 0 : i32
    %dma_wait3A_298 = arith.constant 2048 : i32
    %dma_wait3A_299 = tpu.memref_slice %arg9[%dma_wait3A_297, %dma_wait3A_298] : memref<1024x65536xf32, #tpu.memory_space<any>> -> memref<1024x1024xf32, #tpu.memory_space<any>>
    tpu.wait_dma2 semaphore(%arg15 : memref<!tpu.dma_semaphore, #tpu.memory_space<semaphore_mem>>) src(%arg12 : memref<1024x1024xf32, #tpu.memory_space<vmem>>) dst(%dma_wait3A_299 : memref<1024x1024xf32, #tpu.memory_space<any>>)
    %dma_wait3A_300 = arith.constant 0 : i32
    %dma_wait3A_301 = arith.constant 3072 : i32
    %dma_wait3A_302 = tpu.memref_slice %arg9[%dma_wait3A_300, %dma_wait3A_301] : memref<1024x65536xf32, #tpu.memory_space<any>> -> memref<1024x1024xf32, #tpu.memory_space<any>>
    tpu.wait_dma2 semaphore(%arg15 : memref<!tpu.dma_semaphore, #tpu.memory_space<semaphore_mem>>) src(%arg12 : memref<1024x1024xf32, #tpu.memory_space<vmem>>) dst(%dma_wait3A_302 : memref<1024x1024xf32, #tpu.memory_space<any>>)
    %dma_wait3A_303 = arith.constant 0 : i32
    %dma_wait3A_304 = arith.constant 4096 : i32
    %dma_wait3A_305 = tpu.memref_slice %arg9[%dma_wait3A_303, %dma_wait3A_304] : memref<1024x65536xf32, #tpu.memory_space<any>> -> memref<1024x1024xf32, #tpu.memory_space<any>>
    tpu.wait_dma2 semaphore(%arg15 : memref<!tpu.dma_semaphore, #tpu.memory_space<semaphore_mem>>) src(%arg12 : memref<1024x1024xf32, #tpu.memory_space<vmem>>) dst(%dma_wait3A_305 : memref<1024x1024xf32, #tpu.memory_space<any>>)
    %dma_wait3A_306 = arith.constant 0 : i32
    %dma_wait3A_307 = arith.constant 5120 : i32
    %dma_wait3A_308 = tpu.memref_slice %arg9[%dma_wait3A_306, %dma_wait3A_307] : memref<1024x65536xf32, #tpu.memory_space<any>> -> memref<1024x1024xf32, #tpu.memory_space<any>>
    tpu.wait_dma2 semaphore(%arg15 : memref<!tpu.dma_semaphore, #tpu.memory_space<semaphore_mem>>) src(%arg12 : memref<1024x1024xf32, #tpu.memory_space<vmem>>) dst(%dma_wait3A_308 : memref<1024x1024xf32, #tpu.memory_space<any>>)
    %dma_wait3A_309 = arith.constant 0 : i32
    %dma_wait3A_310 = arith.constant 6144 : i32
    %dma_wait3A_311 = tpu.memref_slice %arg9[%dma_wait3A_309, %dma_wait3A_310] : memref<1024x65536xf32, #tpu.memory_space<any>> -> memref<1024x1024xf32, #tpu.memory_space<any>>
    tpu.wait_dma2 semaphore(%arg15 : memref<!tpu.dma_semaphore, #tpu.memory_space<semaphore_mem>>) src(%arg12 : memref<1024x1024xf32, #tpu.memory_space<vmem>>) dst(%dma_wait3A_311 : memref<1024x1024xf32, #tpu.memory_space<any>>)
    %dma_wait3A_312 = arith.constant 0 : i32
    %dma_wait3A_313 = arith.constant 7168 : i32
    %dma_wait3A_314 = tpu.memref_slice %arg9[%dma_wait3A_312, %dma_wait3A_313] : memref<1024x65536xf32, #tpu.memory_space<any>> -> memref<1024x1024xf32, #tpu.memory_space<any>>
    tpu.wait_dma2 semaphore(%arg15 : memref<!tpu.dma_semaphore, #tpu.memory_space<semaphore_mem>>) src(%arg12 : memref<1024x1024xf32, #tpu.memory_space<vmem>>) dst(%dma_wait3A_314 : memref<1024x1024xf32, #tpu.memory_space<any>>)
    %dma_wait3A_315 = arith.constant 0 : i32
    %dma_wait3A_316 = arith.constant 8192 : i32
    %dma_wait3A_317 = tpu.memref_slice %arg9[%dma_wait3A_315, %dma_wait3A_316] : memref<1024x65536xf32, #tpu.memory_space<any>> -> memref<1024x1024xf32, #tpu.memory_space<any>>
    tpu.wait_dma2 semaphore(%arg15 : memref<!tpu.dma_semaphore, #tpu.memory_space<semaphore_mem>>) src(%arg12 : memref<1024x1024xf32, #tpu.memory_space<vmem>>) dst(%dma_wait3A_317 : memref<1024x1024xf32, #tpu.memory_space<any>>)
    %dma_wait3A_318 = arith.constant 0 : i32
    %dma_wait3A_319 = arith.constant 9216 : i32
    %dma_wait3A_320 = tpu.memref_slice %arg9[%dma_wait3A_318, %dma_wait3A_319] : memref<1024x65536xf32, #tpu.memory_space<any>> -> memref<1024x1024xf32, #tpu.memory_space<any>>
    tpu.wait_dma2 semaphore(%arg15 : memref<!tpu.dma_semaphore, #tpu.memory_space<semaphore_mem>>) src(%arg12 : memref<1024x1024xf32, #tpu.memory_space<vmem>>) dst(%dma_wait3A_320 : memref<1024x1024xf32, #tpu.memory_space<any>>)
    %dma_wait3A_321 = arith.constant 0 : i32
    %dma_wait3A_322 = arith.constant 10240 : i32
    %dma_wait3A_323 = tpu.memref_slice %arg9[%dma_wait3A_321, %dma_wait3A_322] : memref<1024x65536xf32, #tpu.memory_space<any>> -> memref<1024x1024xf32, #tpu.memory_space<any>>
    tpu.wait_dma2 semaphore(%arg15 : memref<!tpu.dma_semaphore, #tpu.memory_space<semaphore_mem>>) src(%arg12 : memref<1024x1024xf32, #tpu.memory_space<vmem>>) dst(%dma_wait3A_323 : memref<1024x1024xf32, #tpu.memory_space<any>>)
    %dma_wait3A_324 = arith.constant 0 : i32
    %dma_wait3A_325 = arith.constant 11264 : i32
    %dma_wait3A_326 = tpu.memref_slice %arg9[%dma_wait3A_324, %dma_wait3A_325] : memref<1024x65536xf32, #tpu.memory_space<any>> -> memref<1024x1024xf32, #tpu.memory_space<any>>
    tpu.wait_dma2 semaphore(%arg15 : memref<!tpu.dma_semaphore, #tpu.memory_space<semaphore_mem>>) src(%arg12 : memref<1024x1024xf32, #tpu.memory_space<vmem>>) dst(%dma_wait3A_326 : memref<1024x1024xf32, #tpu.memory_space<any>>)
    %dma_wait3A_327 = arith.constant 0 : i32
    %dma_wait3A_328 = arith.constant 12288 : i32
    %dma_wait3A_329 = tpu.memref_slice %arg9[%dma_wait3A_327, %dma_wait3A_328] : memref<1024x65536xf32, #tpu.memory_space<any>> -> memref<1024x1024xf32, #tpu.memory_space<any>>
    tpu.wait_dma2 semaphore(%arg15 : memref<!tpu.dma_semaphore, #tpu.memory_space<semaphore_mem>>) src(%arg12 : memref<1024x1024xf32, #tpu.memory_space<vmem>>) dst(%dma_wait3A_329 : memref<1024x1024xf32, #tpu.memory_space<any>>)
    %dma_wait3A_330 = arith.constant 0 : i32
    %dma_wait3A_331 = arith.constant 13312 : i32
    %dma_wait3A_332 = tpu.memref_slice %arg9[%dma_wait3A_330, %dma_wait3A_331] : memref<1024x65536xf32, #tpu.memory_space<any>> -> memref<1024x1024xf32, #tpu.memory_space<any>>
    tpu.wait_dma2 semaphore(%arg15 : memref<!tpu.dma_semaphore, #tpu.memory_space<semaphore_mem>>) src(%arg12 : memref<1024x1024xf32, #tpu.memory_space<vmem>>) dst(%dma_wait3A_332 : memref<1024x1024xf32, #tpu.memory_space<any>>)
    %dma_wait3A_333 = arith.constant 0 : i32
    %dma_wait3A_334 = arith.constant 14336 : i32
    %dma_wait3A_335 = tpu.memref_slice %arg9[%dma_wait3A_333, %dma_wait3A_334] : memref<1024x65536xf32, #tpu.memory_space<any>> -> memref<1024x1024xf32, #tpu.memory_space<any>>
    tpu.wait_dma2 semaphore(%arg15 : memref<!tpu.dma_semaphore, #tpu.memory_space<semaphore_mem>>) src(%arg12 : memref<1024x1024xf32, #tpu.memory_space<vmem>>) dst(%dma_wait3A_335 : memref<1024x1024xf32, #tpu.memory_space<any>>)
    %dma_wait3A_336 = arith.constant 0 : i32
    %dma_wait3A_337 = arith.constant 15360 : i32
    %dma_wait3A_338 = tpu.memref_slice %arg9[%dma_wait3A_336, %dma_wait3A_337] : memref<1024x65536xf32, #tpu.memory_space<any>> -> memref<1024x1024xf32, #tpu.memory_space<any>>
    tpu.wait_dma2 semaphore(%arg15 : memref<!tpu.dma_semaphore, #tpu.memory_space<semaphore_mem>>) src(%arg12 : memref<1024x1024xf32, #tpu.memory_space<vmem>>) dst(%dma_wait3A_338 : memref<1024x1024xf32, #tpu.memory_space<any>>)
    %dma_wait3A_339 = arith.constant 0 : i32
    %dma_wait3A_340 = arith.constant 16384 : i32
    %dma_wait3A_341 = tpu.memref_slice %arg9[%dma_wait3A_339, %dma_wait3A_340] : memref<1024x65536xf32, #tpu.memory_space<any>> -> memref<1024x1024xf32, #tpu.memory_space<any>>
    tpu.wait_dma2 semaphore(%arg15 : memref<!tpu.dma_semaphore, #tpu.memory_space<semaphore_mem>>) src(%arg12 : memref<1024x1024xf32, #tpu.memory_space<vmem>>) dst(%dma_wait3A_341 : memref<1024x1024xf32, #tpu.memory_space<any>>)
    %dma_wait3A_342 = arith.constant 0 : i32
    %dma_wait3A_343 = arith.constant 17408 : i32
    %dma_wait3A_344 = tpu.memref_slice %arg9[%dma_wait3A_342, %dma_wait3A_343] : memref<1024x65536xf32, #tpu.memory_space<any>> -> memref<1024x1024xf32, #tpu.memory_space<any>>
    tpu.wait_dma2 semaphore(%arg15 : memref<!tpu.dma_semaphore, #tpu.memory_space<semaphore_mem>>) src(%arg12 : memref<1024x1024xf32, #tpu.memory_space<vmem>>) dst(%dma_wait3A_344 : memref<1024x1024xf32, #tpu.memory_space<any>>)
    %dma_wait3A_345 = arith.constant 0 : i32
    %dma_wait3A_346 = arith.constant 18432 : i32
    %dma_wait3A_347 = tpu.memref_slice %arg9[%dma_wait3A_345, %dma_wait3A_346] : memref<1024x65536xf32, #tpu.memory_space<any>> -> memref<1024x1024xf32, #tpu.memory_space<any>>
    tpu.wait_dma2 semaphore(%arg15 : memref<!tpu.dma_semaphore, #tpu.memory_space<semaphore_mem>>) src(%arg12 : memref<1024x1024xf32, #tpu.memory_space<vmem>>) dst(%dma_wait3A_347 : memref<1024x1024xf32, #tpu.memory_space<any>>)
    %dma_wait3A_348 = arith.constant 0 : i32
    %dma_wait3A_349 = arith.constant 19456 : i32
    %dma_wait3A_350 = tpu.memref_slice %arg9[%dma_wait3A_348, %dma_wait3A_349] : memref<1024x65536xf32, #tpu.memory_space<any>> -> memref<1024x1024xf32, #tpu.memory_space<any>>
    tpu.wait_dma2 semaphore(%arg15 : memref<!tpu.dma_semaphore, #tpu.memory_space<semaphore_mem>>) src(%arg12 : memref<1024x1024xf32, #tpu.memory_space<vmem>>) dst(%dma_wait3A_350 : memref<1024x1024xf32, #tpu.memory_space<any>>)
    %dma_wait3A_351 = arith.constant 0 : i32
    %dma_wait3A_352 = arith.constant 20480 : i32
    %dma_wait3A_353 = tpu.memref_slice %arg9[%dma_wait3A_351, %dma_wait3A_352] : memref<1024x65536xf32, #tpu.memory_space<any>> -> memref<1024x1024xf32, #tpu.memory_space<any>>
    tpu.wait_dma2 semaphore(%arg15 : memref<!tpu.dma_semaphore, #tpu.memory_space<semaphore_mem>>) src(%arg12 : memref<1024x1024xf32, #tpu.memory_space<vmem>>) dst(%dma_wait3A_353 : memref<1024x1024xf32, #tpu.memory_space<any>>)
    %dma_wait3A_354 = arith.constant 0 : i32
    %dma_wait3A_355 = arith.constant 21504 : i32
    %dma_wait3A_356 = tpu.memref_slice %arg9[%dma_wait3A_354, %dma_wait3A_355] : memref<1024x65536xf32, #tpu.memory_space<any>> -> memref<1024x1024xf32, #tpu.memory_space<any>>
    tpu.wait_dma2 semaphore(%arg15 : memref<!tpu.dma_semaphore, #tpu.memory_space<semaphore_mem>>) src(%arg12 : memref<1024x1024xf32, #tpu.memory_space<vmem>>) dst(%dma_wait3A_356 : memref<1024x1024xf32, #tpu.memory_space<any>>)
    %dma_wait3A_357 = arith.constant 0 : i32
    %dma_wait3A_358 = arith.constant 22528 : i32
    %dma_wait3A_359 = tpu.memref_slice %arg9[%dma_wait3A_357, %dma_wait3A_358] : memref<1024x65536xf32, #tpu.memory_space<any>> -> memref<1024x1024xf32, #tpu.memory_space<any>>
    tpu.wait_dma2 semaphore(%arg15 : memref<!tpu.dma_semaphore, #tpu.memory_space<semaphore_mem>>) src(%arg12 : memref<1024x1024xf32, #tpu.memory_space<vmem>>) dst(%dma_wait3A_359 : memref<1024x1024xf32, #tpu.memory_space<any>>)
    %dma_wait3A_360 = arith.constant 0 : i32
    %dma_wait3A_361 = arith.constant 23552 : i32
    %dma_wait3A_362 = tpu.memref_slice %arg9[%dma_wait3A_360, %dma_wait3A_361] : memref<1024x65536xf32, #tpu.memory_space<any>> -> memref<1024x1024xf32, #tpu.memory_space<any>>
    tpu.wait_dma2 semaphore(%arg15 : memref<!tpu.dma_semaphore, #tpu.memory_space<semaphore_mem>>) src(%arg12 : memref<1024x1024xf32, #tpu.memory_space<vmem>>) dst(%dma_wait3A_362 : memref<1024x1024xf32, #tpu.memory_space<any>>)
    %dma_wait3A_363 = arith.constant 0 : i32
    %dma_wait3A_364 = arith.constant 24576 : i32
    %dma_wait3A_365 = tpu.memref_slice %arg9[%dma_wait3A_363, %dma_wait3A_364] : memref<1024x65536xf32, #tpu.memory_space<any>> -> memref<1024x1024xf32, #tpu.memory_space<any>>
    tpu.wait_dma2 semaphore(%arg15 : memref<!tpu.dma_semaphore, #tpu.memory_space<semaphore_mem>>) src(%arg12 : memref<1024x1024xf32, #tpu.memory_space<vmem>>) dst(%dma_wait3A_365 : memref<1024x1024xf32, #tpu.memory_space<any>>)
    %dma_wait3A_366 = arith.constant 0 : i32
    %dma_wait3A_367 = arith.constant 25600 : i32
    %dma_wait3A_368 = tpu.memref_slice %arg9[%dma_wait3A_366, %dma_wait3A_367] : memref<1024x65536xf32, #tpu.memory_space<any>> -> memref<1024x1024xf32, #tpu.memory_space<any>>
    tpu.wait_dma2 semaphore(%arg15 : memref<!tpu.dma_semaphore, #tpu.memory_space<semaphore_mem>>) src(%arg12 : memref<1024x1024xf32, #tpu.memory_space<vmem>>) dst(%dma_wait3A_368 : memref<1024x1024xf32, #tpu.memory_space<any>>)
    %dma_wait3A_369 = arith.constant 0 : i32
    %dma_wait3A_370 = arith.constant 26624 : i32
    %dma_wait3A_371 = tpu.memref_slice %arg9[%dma_wait3A_369, %dma_wait3A_370] : memref<1024x65536xf32, #tpu.memory_space<any>> -> memref<1024x1024xf32, #tpu.memory_space<any>>
    tpu.wait_dma2 semaphore(%arg15 : memref<!tpu.dma_semaphore, #tpu.memory_space<semaphore_mem>>) src(%arg12 : memref<1024x1024xf32, #tpu.memory_space<vmem>>) dst(%dma_wait3A_371 : memref<1024x1024xf32, #tpu.memory_space<any>>)
    %dma_wait3A_372 = arith.constant 0 : i32
    %dma_wait3A_373 = arith.constant 27648 : i32
    %dma_wait3A_374 = tpu.memref_slice %arg9[%dma_wait3A_372, %dma_wait3A_373] : memref<1024x65536xf32, #tpu.memory_space<any>> -> memref<1024x1024xf32, #tpu.memory_space<any>>
    tpu.wait_dma2 semaphore(%arg15 : memref<!tpu.dma_semaphore, #tpu.memory_space<semaphore_mem>>) src(%arg12 : memref<1024x1024xf32, #tpu.memory_space<vmem>>) dst(%dma_wait3A_374 : memref<1024x1024xf32, #tpu.memory_space<any>>)
    %dma_wait3A_375 = arith.constant 0 : i32
    %dma_wait3A_376 = arith.constant 28672 : i32
    %dma_wait3A_377 = tpu.memref_slice %arg9[%dma_wait3A_375, %dma_wait3A_376] : memref<1024x65536xf32, #tpu.memory_space<any>> -> memref<1024x1024xf32, #tpu.memory_space<any>>
    tpu.wait_dma2 semaphore(%arg15 : memref<!tpu.dma_semaphore, #tpu.memory_space<semaphore_mem>>) src(%arg12 : memref<1024x1024xf32, #tpu.memory_space<vmem>>) dst(%dma_wait3A_377 : memref<1024x1024xf32, #tpu.memory_space<any>>)
    %dma_wait3A_378 = arith.constant 0 : i32
    %dma_wait3A_379 = arith.constant 29696 : i32
    %dma_wait3A_380 = tpu.memref_slice %arg9[%dma_wait3A_378, %dma_wait3A_379] : memref<1024x65536xf32, #tpu.memory_space<any>> -> memref<1024x1024xf32, #tpu.memory_space<any>>
    tpu.wait_dma2 semaphore(%arg15 : memref<!tpu.dma_semaphore, #tpu.memory_space<semaphore_mem>>) src(%arg12 : memref<1024x1024xf32, #tpu.memory_space<vmem>>) dst(%dma_wait3A_380 : memref<1024x1024xf32, #tpu.memory_space<any>>)
    %dma_wait3A_381 = arith.constant 0 : i32
    %dma_wait3A_382 = arith.constant 30720 : i32
    %dma_wait3A_383 = tpu.memref_slice %arg9[%dma_wait3A_381, %dma_wait3A_382] : memref<1024x65536xf32, #tpu.memory_space<any>> -> memref<1024x1024xf32, #tpu.memory_space<any>>
    tpu.wait_dma2 semaphore(%arg15 : memref<!tpu.dma_semaphore, #tpu.memory_space<semaphore_mem>>) src(%arg12 : memref<1024x1024xf32, #tpu.memory_space<vmem>>) dst(%dma_wait3A_383 : memref<1024x1024xf32, #tpu.memory_space<any>>)
    %dma_wait3A_384 = arith.constant 0 : i32
    %dma_wait3A_385 = arith.constant 31744 : i32
    %dma_wait3A_386 = tpu.memref_slice %arg9[%dma_wait3A_384, %dma_wait3A_385] : memref<1024x65536xf32, #tpu.memory_space<any>> -> memref<1024x1024xf32, #tpu.memory_space<any>>
    tpu.wait_dma2 semaphore(%arg15 : memref<!tpu.dma_semaphore, #tpu.memory_space<semaphore_mem>>) src(%arg12 : memref<1024x1024xf32, #tpu.memory_space<vmem>>) dst(%dma_wait3A_386 : memref<1024x1024xf32, #tpu.memory_space<any>>)
    %dma_wait3A_387 = arith.constant 0 : i32
    %dma_wait3A_388 = arith.constant 32768 : i32
    %dma_wait3A_389 = tpu.memref_slice %arg9[%dma_wait3A_387, %dma_wait3A_388] : memref<1024x65536xf32, #tpu.memory_space<any>> -> memref<1024x1024xf32, #tpu.memory_space<any>>
    tpu.wait_dma2 semaphore(%arg15 : memref<!tpu.dma_semaphore, #tpu.memory_space<semaphore_mem>>) src(%arg12 : memref<1024x1024xf32, #tpu.memory_space<vmem>>) dst(%dma_wait3A_389 : memref<1024x1024xf32, #tpu.memory_space<any>>)
    %dma_wait3A_390 = arith.constant 0 : i32
    %dma_wait3A_391 = arith.constant 33792 : i32
    %dma_wait3A_392 = tpu.memref_slice %arg9[%dma_wait3A_390, %dma_wait3A_391] : memref<1024x65536xf32, #tpu.memory_space<any>> -> memref<1024x1024xf32, #tpu.memory_space<any>>
    tpu.wait_dma2 semaphore(%arg15 : memref<!tpu.dma_semaphore, #tpu.memory_space<semaphore_mem>>) src(%arg12 : memref<1024x1024xf32, #tpu.memory_space<vmem>>) dst(%dma_wait3A_392 : memref<1024x1024xf32, #tpu.memory_space<any>>)
    %dma_wait3A_393 = arith.constant 0 : i32
    %dma_wait3A_394 = arith.constant 34816 : i32
    %dma_wait3A_395 = tpu.memref_slice %arg9[%dma_wait3A_393, %dma_wait3A_394] : memref<1024x65536xf32, #tpu.memory_space<any>> -> memref<1024x1024xf32, #tpu.memory_space<any>>
    tpu.wait_dma2 semaphore(%arg15 : memref<!tpu.dma_semaphore, #tpu.memory_space<semaphore_mem>>) src(%arg12 : memref<1024x1024xf32, #tpu.memory_space<vmem>>) dst(%dma_wait3A_395 : memref<1024x1024xf32, #tpu.memory_space<any>>)
    %dma_wait3A_396 = arith.constant 0 : i32
    %dma_wait3A_397 = arith.constant 35840 : i32
    %dma_wait3A_398 = tpu.memref_slice %arg9[%dma_wait3A_396, %dma_wait3A_397] : memref<1024x65536xf32, #tpu.memory_space<any>> -> memref<1024x1024xf32, #tpu.memory_space<any>>
    tpu.wait_dma2 semaphore(%arg15 : memref<!tpu.dma_semaphore, #tpu.memory_space<semaphore_mem>>) src(%arg12 : memref<1024x1024xf32, #tpu.memory_space<vmem>>) dst(%dma_wait3A_398 : memref<1024x1024xf32, #tpu.memory_space<any>>)
    %dma_wait3A_399 = arith.constant 0 : i32
    %dma_wait3A_400 = arith.constant 36864 : i32
    %dma_wait3A_401 = tpu.memref_slice %arg9[%dma_wait3A_399, %dma_wait3A_400] : memref<1024x65536xf32, #tpu.memory_space<any>> -> memref<1024x1024xf32, #tpu.memory_space<any>>
    tpu.wait_dma2 semaphore(%arg15 : memref<!tpu.dma_semaphore, #tpu.memory_space<semaphore_mem>>) src(%arg12 : memref<1024x1024xf32, #tpu.memory_space<vmem>>) dst(%dma_wait3A_401 : memref<1024x1024xf32, #tpu.memory_space<any>>)
    %dma_wait3A_402 = arith.constant 0 : i32
    %dma_wait3A_403 = arith.constant 37888 : i32
    %dma_wait3A_404 = tpu.memref_slice %arg9[%dma_wait3A_402, %dma_wait3A_403] : memref<1024x65536xf32, #tpu.memory_space<any>> -> memref<1024x1024xf32, #tpu.memory_space<any>>
    tpu.wait_dma2 semaphore(%arg15 : memref<!tpu.dma_semaphore, #tpu.memory_space<semaphore_mem>>) src(%arg12 : memref<1024x1024xf32, #tpu.memory_space<vmem>>) dst(%dma_wait3A_404 : memref<1024x1024xf32, #tpu.memory_space<any>>)
    %dma_wait3A_405 = arith.constant 0 : i32
    %dma_wait3A_406 = arith.constant 38912 : i32
    %dma_wait3A_407 = tpu.memref_slice %arg9[%dma_wait3A_405, %dma_wait3A_406] : memref<1024x65536xf32, #tpu.memory_space<any>> -> memref<1024x1024xf32, #tpu.memory_space<any>>
    tpu.wait_dma2 semaphore(%arg15 : memref<!tpu.dma_semaphore, #tpu.memory_space<semaphore_mem>>) src(%arg12 : memref<1024x1024xf32, #tpu.memory_space<vmem>>) dst(%dma_wait3A_407 : memref<1024x1024xf32, #tpu.memory_space<any>>)
    %dma_wait3A_408 = arith.constant 0 : i32
    %dma_wait3A_409 = arith.constant 39936 : i32
    %dma_wait3A_410 = tpu.memref_slice %arg9[%dma_wait3A_408, %dma_wait3A_409] : memref<1024x65536xf32, #tpu.memory_space<any>> -> memref<1024x1024xf32, #tpu.memory_space<any>>
    tpu.wait_dma2 semaphore(%arg15 : memref<!tpu.dma_semaphore, #tpu.memory_space<semaphore_mem>>) src(%arg12 : memref<1024x1024xf32, #tpu.memory_space<vmem>>) dst(%dma_wait3A_410 : memref<1024x1024xf32, #tpu.memory_space<any>>)
    %dma_wait3A_411 = arith.constant 0 : i32
    %dma_wait3A_412 = arith.constant 40960 : i32
    %dma_wait3A_413 = tpu.memref_slice %arg9[%dma_wait3A_411, %dma_wait3A_412] : memref<1024x65536xf32, #tpu.memory_space<any>> -> memref<1024x1024xf32, #tpu.memory_space<any>>
    tpu.wait_dma2 semaphore(%arg15 : memref<!tpu.dma_semaphore, #tpu.memory_space<semaphore_mem>>) src(%arg12 : memref<1024x1024xf32, #tpu.memory_space<vmem>>) dst(%dma_wait3A_413 : memref<1024x1024xf32, #tpu.memory_space<any>>)
    %dma_wait3A_414 = arith.constant 0 : i32
    %dma_wait3A_415 = arith.constant 41984 : i32
    %dma_wait3A_416 = tpu.memref_slice %arg9[%dma_wait3A_414, %dma_wait3A_415] : memref<1024x65536xf32, #tpu.memory_space<any>> -> memref<1024x1024xf32, #tpu.memory_space<any>>
    tpu.wait_dma2 semaphore(%arg15 : memref<!tpu.dma_semaphore, #tpu.memory_space<semaphore_mem>>) src(%arg12 : memref<1024x1024xf32, #tpu.memory_space<vmem>>) dst(%dma_wait3A_416 : memref<1024x1024xf32, #tpu.memory_space<any>>)
    %dma_wait3A_417 = arith.constant 0 : i32
    %dma_wait3A_418 = arith.constant 43008 : i32
    %dma_wait3A_419 = tpu.memref_slice %arg9[%dma_wait3A_417, %dma_wait3A_418] : memref<1024x65536xf32, #tpu.memory_space<any>> -> memref<1024x1024xf32, #tpu.memory_space<any>>
    tpu.wait_dma2 semaphore(%arg15 : memref<!tpu.dma_semaphore, #tpu.memory_space<semaphore_mem>>) src(%arg12 : memref<1024x1024xf32, #tpu.memory_space<vmem>>) dst(%dma_wait3A_419 : memref<1024x1024xf32, #tpu.memory_space<any>>)
    %dma_wait3A_420 = arith.constant 0 : i32
    %dma_wait3A_421 = arith.constant 44032 : i32
    %dma_wait3A_422 = tpu.memref_slice %arg9[%dma_wait3A_420, %dma_wait3A_421] : memref<1024x65536xf32, #tpu.memory_space<any>> -> memref<1024x1024xf32, #tpu.memory_space<any>>
    tpu.wait_dma2 semaphore(%arg15 : memref<!tpu.dma_semaphore, #tpu.memory_space<semaphore_mem>>) src(%arg12 : memref<1024x1024xf32, #tpu.memory_space<vmem>>) dst(%dma_wait3A_422 : memref<1024x1024xf32, #tpu.memory_space<any>>)
    %dma_wait3A_423 = arith.constant 0 : i32
    %dma_wait3A_424 = arith.constant 45056 : i32
    %dma_wait3A_425 = tpu.memref_slice %arg9[%dma_wait3A_423, %dma_wait3A_424] : memref<1024x65536xf32, #tpu.memory_space<any>> -> memref<1024x1024xf32, #tpu.memory_space<any>>
    tpu.wait_dma2 semaphore(%arg15 : memref<!tpu.dma_semaphore, #tpu.memory_space<semaphore_mem>>) src(%arg12 : memref<1024x1024xf32, #tpu.memory_space<vmem>>) dst(%dma_wait3A_425 : memref<1024x1024xf32, #tpu.memory_space<any>>)
    %dma_wait3A_426 = arith.constant 0 : i32
    %dma_wait3A_427 = arith.constant 46080 : i32
    %dma_wait3A_428 = tpu.memref_slice %arg9[%dma_wait3A_426, %dma_wait3A_427] : memref<1024x65536xf32, #tpu.memory_space<any>> -> memref<1024x1024xf32, #tpu.memory_space<any>>
    tpu.wait_dma2 semaphore(%arg15 : memref<!tpu.dma_semaphore, #tpu.memory_space<semaphore_mem>>) src(%arg12 : memref<1024x1024xf32, #tpu.memory_space<vmem>>) dst(%dma_wait3A_428 : memref<1024x1024xf32, #tpu.memory_space<any>>)
    %dma_wait3A_429 = arith.constant 0 : i32
    %dma_wait3A_430 = arith.constant 47104 : i32
    %dma_wait3A_431 = tpu.memref_slice %arg9[%dma_wait3A_429, %dma_wait3A_430] : memref<1024x65536xf32, #tpu.memory_space<any>> -> memref<1024x1024xf32, #tpu.memory_space<any>>
    tpu.wait_dma2 semaphore(%arg15 : memref<!tpu.dma_semaphore, #tpu.memory_space<semaphore_mem>>) src(%arg12 : memref<1024x1024xf32, #tpu.memory_space<vmem>>) dst(%dma_wait3A_431 : memref<1024x1024xf32, #tpu.memory_space<any>>)
    %dma_wait3A_432 = arith.constant 0 : i32
    %dma_wait3A_433 = arith.constant 48128 : i32
    %dma_wait3A_434 = tpu.memref_slice %arg9[%dma_wait3A_432, %dma_wait3A_433] : memref<1024x65536xf32, #tpu.memory_space<any>> -> memref<1024x1024xf32, #tpu.memory_space<any>>
    tpu.wait_dma2 semaphore(%arg15 : memref<!tpu.dma_semaphore, #tpu.memory_space<semaphore_mem>>) src(%arg12 : memref<1024x1024xf32, #tpu.memory_space<vmem>>) dst(%dma_wait3A_434 : memref<1024x1024xf32, #tpu.memory_space<any>>)
    %dma_wait3A_435 = arith.constant 0 : i32
    %dma_wait3A_436 = arith.constant 49152 : i32
    %dma_wait3A_437 = tpu.memref_slice %arg9[%dma_wait3A_435, %dma_wait3A_436] : memref<1024x65536xf32, #tpu.memory_space<any>> -> memref<1024x1024xf32, #tpu.memory_space<any>>
    tpu.wait_dma2 semaphore(%arg15 : memref<!tpu.dma_semaphore, #tpu.memory_space<semaphore_mem>>) src(%arg12 : memref<1024x1024xf32, #tpu.memory_space<vmem>>) dst(%dma_wait3A_437 : memref<1024x1024xf32, #tpu.memory_space<any>>)
    %dma_wait3A_438 = arith.constant 0 : i32
    %dma_wait3A_439 = arith.constant 50176 : i32
    %dma_wait3A_440 = tpu.memref_slice %arg9[%dma_wait3A_438, %dma_wait3A_439] : memref<1024x65536xf32, #tpu.memory_space<any>> -> memref<1024x1024xf32, #tpu.memory_space<any>>
    tpu.wait_dma2 semaphore(%arg15 : memref<!tpu.dma_semaphore, #tpu.memory_space<semaphore_mem>>) src(%arg12 : memref<1024x1024xf32, #tpu.memory_space<vmem>>) dst(%dma_wait3A_440 : memref<1024x1024xf32, #tpu.memory_space<any>>)
    %dma_wait3A_441 = arith.constant 0 : i32
    %dma_wait3A_442 = arith.constant 51200 : i32
    %dma_wait3A_443 = tpu.memref_slice %arg9[%dma_wait3A_441, %dma_wait3A_442] : memref<1024x65536xf32, #tpu.memory_space<any>> -> memref<1024x1024xf32, #tpu.memory_space<any>>
    tpu.wait_dma2 semaphore(%arg15 : memref<!tpu.dma_semaphore, #tpu.memory_space<semaphore_mem>>) src(%arg12 : memref<1024x1024xf32, #tpu.memory_space<vmem>>) dst(%dma_wait3A_443 : memref<1024x1024xf32, #tpu.memory_space<any>>)
    %dma_wait3A_444 = arith.constant 0 : i32
    %dma_wait3A_445 = arith.constant 52224 : i32
    %dma_wait3A_446 = tpu.memref_slice %arg9[%dma_wait3A_444, %dma_wait3A_445] : memref<1024x65536xf32, #tpu.memory_space<any>> -> memref<1024x1024xf32, #tpu.memory_space<any>>
    tpu.wait_dma2 semaphore(%arg15 : memref<!tpu.dma_semaphore, #tpu.memory_space<semaphore_mem>>) src(%arg12 : memref<1024x1024xf32, #tpu.memory_space<vmem>>) dst(%dma_wait3A_446 : memref<1024x1024xf32, #tpu.memory_space<any>>)
    %dma_wait3A_447 = arith.constant 0 : i32
    %dma_wait3A_448 = arith.constant 53248 : i32
    %dma_wait3A_449 = tpu.memref_slice %arg9[%dma_wait3A_447, %dma_wait3A_448] : memref<1024x65536xf32, #tpu.memory_space<any>> -> memref<1024x1024xf32, #tpu.memory_space<any>>
    tpu.wait_dma2 semaphore(%arg15 : memref<!tpu.dma_semaphore, #tpu.memory_space<semaphore_mem>>) src(%arg12 : memref<1024x1024xf32, #tpu.memory_space<vmem>>) dst(%dma_wait3A_449 : memref<1024x1024xf32, #tpu.memory_space<any>>)
    %dma_wait3A_450 = arith.constant 0 : i32
    %dma_wait3A_451 = arith.constant 54272 : i32
    %dma_wait3A_452 = tpu.memref_slice %arg9[%dma_wait3A_450, %dma_wait3A_451] : memref<1024x65536xf32, #tpu.memory_space<any>> -> memref<1024x1024xf32, #tpu.memory_space<any>>
    tpu.wait_dma2 semaphore(%arg15 : memref<!tpu.dma_semaphore, #tpu.memory_space<semaphore_mem>>) src(%arg12 : memref<1024x1024xf32, #tpu.memory_space<vmem>>) dst(%dma_wait3A_452 : memref<1024x1024xf32, #tpu.memory_space<any>>)
    %dma_wait3A_453 = arith.constant 0 : i32
    %dma_wait3A_454 = arith.constant 55296 : i32
    %dma_wait3A_455 = tpu.memref_slice %arg9[%dma_wait3A_453, %dma_wait3A_454] : memref<1024x65536xf32, #tpu.memory_space<any>> -> memref<1024x1024xf32, #tpu.memory_space<any>>
    tpu.wait_dma2 semaphore(%arg15 : memref<!tpu.dma_semaphore, #tpu.memory_space<semaphore_mem>>) src(%arg12 : memref<1024x1024xf32, #tpu.memory_space<vmem>>) dst(%dma_wait3A_455 : memref<1024x1024xf32, #tpu.memory_space<any>>)
    %dma_wait3A_456 = arith.constant 0 : i32
    %dma_wait3A_457 = arith.constant 56320 : i32
    %dma_wait3A_458 = tpu.memref_slice %arg9[%dma_wait3A_456, %dma_wait3A_457] : memref<1024x65536xf32, #tpu.memory_space<any>> -> memref<1024x1024xf32, #tpu.memory_space<any>>
    tpu.wait_dma2 semaphore(%arg15 : memref<!tpu.dma_semaphore, #tpu.memory_space<semaphore_mem>>) src(%arg12 : memref<1024x1024xf32, #tpu.memory_space<vmem>>) dst(%dma_wait3A_458 : memref<1024x1024xf32, #tpu.memory_space<any>>)
    %dma_wait3A_459 = arith.constant 0 : i32
    %dma_wait3A_460 = arith.constant 57344 : i32
    %dma_wait3A_461 = tpu.memref_slice %arg9[%dma_wait3A_459, %dma_wait3A_460] : memref<1024x65536xf32, #tpu.memory_space<any>> -> memref<1024x1024xf32, #tpu.memory_space<any>>
    tpu.wait_dma2 semaphore(%arg15 : memref<!tpu.dma_semaphore, #tpu.memory_space<semaphore_mem>>) src(%arg12 : memref<1024x1024xf32, #tpu.memory_space<vmem>>) dst(%dma_wait3A_461 : memref<1024x1024xf32, #tpu.memory_space<any>>)
    %dma_wait3A_462 = arith.constant 0 : i32
    %dma_wait3A_463 = arith.constant 58368 : i32
    %dma_wait3A_464 = tpu.memref_slice %arg9[%dma_wait3A_462, %dma_wait3A_463] : memref<1024x65536xf32, #tpu.memory_space<any>> -> memref<1024x1024xf32, #tpu.memory_space<any>>
    tpu.wait_dma2 semaphore(%arg15 : memref<!tpu.dma_semaphore, #tpu.memory_space<semaphore_mem>>) src(%arg12 : memref<1024x1024xf32, #tpu.memory_space<vmem>>) dst(%dma_wait3A_464 : memref<1024x1024xf32, #tpu.memory_space<any>>)
    %dma_wait3A_465 = arith.constant 0 : i32
    %dma_wait3A_466 = arith.constant 59392 : i32
    %dma_wait3A_467 = tpu.memref_slice %arg9[%dma_wait3A_465, %dma_wait3A_466] : memref<1024x65536xf32, #tpu.memory_space<any>> -> memref<1024x1024xf32, #tpu.memory_space<any>>
    tpu.wait_dma2 semaphore(%arg15 : memref<!tpu.dma_semaphore, #tpu.memory_space<semaphore_mem>>) src(%arg12 : memref<1024x1024xf32, #tpu.memory_space<vmem>>) dst(%dma_wait3A_467 : memref<1024x1024xf32, #tpu.memory_space<any>>)
    %dma_wait3A_468 = arith.constant 0 : i32
    %dma_wait3A_469 = arith.constant 60416 : i32
    %dma_wait3A_470 = tpu.memref_slice %arg9[%dma_wait3A_468, %dma_wait3A_469] : memref<1024x65536xf32, #tpu.memory_space<any>> -> memref<1024x1024xf32, #tpu.memory_space<any>>
    tpu.wait_dma2 semaphore(%arg15 : memref<!tpu.dma_semaphore, #tpu.memory_space<semaphore_mem>>) src(%arg12 : memref<1024x1024xf32, #tpu.memory_space<vmem>>) dst(%dma_wait3A_470 : memref<1024x1024xf32, #tpu.memory_space<any>>)
    %dma_wait3A_471 = arith.constant 0 : i32
    %dma_wait3A_472 = arith.constant 61440 : i32
    %dma_wait3A_473 = tpu.memref_slice %arg9[%dma_wait3A_471, %dma_wait3A_472] : memref<1024x65536xf32, #tpu.memory_space<any>> -> memref<1024x1024xf32, #tpu.memory_space<any>>
    tpu.wait_dma2 semaphore(%arg15 : memref<!tpu.dma_semaphore, #tpu.memory_space<semaphore_mem>>) src(%arg12 : memref<1024x1024xf32, #tpu.memory_space<vmem>>) dst(%dma_wait3A_473 : memref<1024x1024xf32, #tpu.memory_space<any>>)
    %dma_wait3A_474 = arith.constant 0 : i32
    %dma_wait3A_475 = arith.constant 62464 : i32
    %dma_wait3A_476 = tpu.memref_slice %arg9[%dma_wait3A_474, %dma_wait3A_475] : memref<1024x65536xf32, #tpu.memory_space<any>> -> memref<1024x1024xf32, #tpu.memory_space<any>>
    tpu.wait_dma2 semaphore(%arg15 : memref<!tpu.dma_semaphore, #tpu.memory_space<semaphore_mem>>) src(%arg12 : memref<1024x1024xf32, #tpu.memory_space<vmem>>) dst(%dma_wait3A_476 : memref<1024x1024xf32, #tpu.memory_space<any>>)
    %dma_wait3A_477 = arith.constant 0 : i32
    %dma_wait3A_478 = arith.constant 63488 : i32
    %dma_wait3A_479 = tpu.memref_slice %arg9[%dma_wait3A_477, %dma_wait3A_478] : memref<1024x65536xf32, #tpu.memory_space<any>> -> memref<1024x1024xf32, #tpu.memory_space<any>>
    tpu.wait_dma2 semaphore(%arg15 : memref<!tpu.dma_semaphore, #tpu.memory_space<semaphore_mem>>) src(%arg12 : memref<1024x1024xf32, #tpu.memory_space<vmem>>) dst(%dma_wait3A_479 : memref<1024x1024xf32, #tpu.memory_space<any>>)
    %dma_wait3A_480 = arith.constant 0 : i32
    %dma_wait3A_481 = arith.constant 64512 : i32
    %dma_wait3A_482 = tpu.memref_slice %arg9[%dma_wait3A_480, %dma_wait3A_481] : memref<1024x65536xf32, #tpu.memory_space<any>> -> memref<1024x1024xf32, #tpu.memory_space<any>>
    tpu.wait_dma2 semaphore(%arg15 : memref<!tpu.dma_semaphore, #tpu.memory_space<semaphore_mem>>) src(%arg12 : memref<1024x1024xf32, #tpu.memory_space<vmem>>) dst(%dma_wait3A_482 : memref<1024x1024xf32, #tpu.memory_space<any>>)
    tpu.wait_dma2 semaphore(%arg15 : memref<!tpu.dma_semaphore, #tpu.memory_space<semaphore_mem>>) src(%arg13 : memref<1024x64xf32, #tpu.memory_space<vmem>>) dst(%arg8 : memref<1024x64xf32, #tpu.memory_space<any>>)
    tpu.wait_dma2 semaphore(%arg15 : memref<!tpu.dma_semaphore, #tpu.memory_space<semaphore_mem>>) src(%arg14 : memref<1x65536xf32, #tpu.memory_space<vmem>>) dst(%arg10 : memref<1x65536xf32, #tpu.memory_space<any>>)
    return
  }
}

</mosaic_0001>

<sc_bundles>
// kernel: kernel.4.cloned.1.call-start
scs
__scs_entry_jumppad:
0x0: {  	(pc) =	sbr.rel $0x88, $3  }
0x1: {  	(tag) =	ssettag $0x0;
	lr =	simm.s32 $0x1  }
0x2: {  	[smem:$0x3F98] =	sst lr;
	_ =	strace $0xD0000000  }
0x3: {  	_ = 	snop  }
0x4: {  	_ = 	snop  }
0x5: {  	_ = 	snop  }
0x6: {  	_ = 	snop  }
0x7: {  	_ = 	snop  }
__scs_overlays_trampoline_lowered:
0x8: {  	[smem:$0x3FA7] =	sst s0  }
0x9: {  	[smem:$0x3FA8] =	sst s1  }
0xa: {  	[smem:$0x3FA9] =	sst s2  }
0xb: {  	[smem:$0x3FAA] =	sst s3  }
0xc: {  	[smem:$0x3FAB] =	sst s4  }
0xd: {  	[smem:$0x3FAC] =	sst s5  }
0xe: {  	[smem:$0x3FAD] =	sst s6  }
0xf: {  	[smem:$0x3FAE] =	sst s7  }
0x10: {  	[smem:$0x3FAF] =	sst s8  }
0x11: {  	[smem:$0x3FB0] =	sst s9;
	s0 =	simm.s32 @!p0 $0x0  }
0x12: {  	s1 =	sld [smem:$0x3F96];
	s0 =	simm.s32 @p0 $0x1  }
0x13: {  	[smem:$0x3FB1] =	sst s0;
	s0 =	simm.s32 @!p1 $0x0  }
0x14: {  	s2 =	sld [smem:$0x3F95];
	s0 =	simm.s32 @p1 $0x1  }
0x15: {  	[smem:$0x3FB2] =	sst s0;
	s0 =	simm.s32 @!p2 $0x0  }
0x16: {  	s3 =	sld [smem:$0x3FDB];
	s0 =	simm.s32 @p2 $0x1  }
0x17: {  	s4 =	simm.s32 $0x1BF5;
	[smem:$0x3FB4] =	sst s0  }
0x18: {  	s0 =	sld [smem:$0x3F97];
	_ =	swait.ge [sflag:s4], $0x0  }
0x19: {  	s7 =	sld [smem:$0x3F98]  }
0x1a: {  	s8 =	sadd.s32 $0xFFFFE003, lr  }
0x1b: {  	s9 =	sadd.s32 $0xFFFFFEF7, lr;
	s5 =	simm.s32 $0xFFFFFFFF;
	p2 =	slt.u32 s8, $0xFFFFF086  }
0x1c: {  	p1 =	slt.u32 s9, $0xF7A;
	s5 =	simm.s32 @!p2 $0x0  }
0x1d: {  	s5 =	simm.s32 @p1 $0x1;
	p0 =	seq.s32 s7, s2  }
0x1e: {  	s7 =	smul.u32 @!p0 $0xF7A, s2;
	p2 =	seq.s32 @!p0 s5, $0x0  }
0x1f: {  	s9 =	smul.u32 $0xF7A, s1;
	s8 =	simm.s32 @!p0 $0x1BF5;
	p2 =	por !p2, p0  }
0x20: {  	[sflag:s8] =	ssyncset.s32 @!p0 $0xFFFFF086;
	s6 =	sadd.s32 @!p0 s3, s7;
	s7 =	simm.s32 @!p0 $0x108  }
0x21: {  	s3 =	sadd.s32 s3, s9;
	s6 =	sadd.s32 @!p0 $0x88, s6;
	s7 =	simm.s32 @p2 $0x1082  }
0x22: {  	[simem:s7], [sflag:s8] =	dma.local @!p0 [hbm:s6], $0xF7A  }
0x23: {  	s9 =	sor.u32 $0xD0000000, s2;
	s6 =	simm.s32 $0x108;
	_ =	swait.ge @!p0 [sflag:s8], $0x0  }
0x24: {  	s3 =	sadd.s32 $0x88, s3;
	s6 =	simm.s32 @!p1 $0x1082;
	[sflag:s4] =	ssyncset.s32 $0xFFFFF086  }
0x25: {  	[simem:s6], [sflag:s4] =	dma.local [hbm:s3], $0xF7A  }
0x26: {  	[smem:$0x3F98] =	sst s1;
	(tag) =	ssettag s2;
	_ =	strace s9  }
0x27: {  	s1 =	sld [smem:$0x3FA8]  }
0x28: {  	s2 =	sld [smem:$0x3FA9]  }
0x29: {  	s4 =	sld [smem:$0x3FAB]  }
0x2a: {  	p0 =	seq.s32 s5, $0x0;
	s5 =	sld [smem:$0x3FAC]  }
0x2b: {  	s6 =	sld [smem:$0x3FAD]  }
0x2c: {  	s7 =	sld [smem:$0x3FAE]  }
0x2d: {  	s3 =	simm.s32 $0x108;
	s8 =	sld [smem:$0x3FAF]  }
0x2e: {  	s3 =	simm.s32 @!p0 $0x1082;
	s9 =	sld [smem:$0x3FB0]  }
0x2f: {  	lr =	sadd.s32 s0, s3;
	s0 =	sld [smem:$0x3FA7]  }
0x30: {  	s3 =	sld [smem:$0x3FAA]  }
0x31: {  	[smem:$0x3FB3] =	sst s10  }
0x32: {  	s10 =	sld [smem:$0x3FB1];
	_ =	sdelay $0x3  }
0x33: {  	p0 =	seq.s32 s10, $0x1;
	s10 =	sld [smem:$0x3FB3];
	_ =	sdelay $0x3  }
0x34: {  	[smem:$0x3FB3] =	sst s10  }
0x35: {  	s10 =	sld [smem:$0x3FB2];
	_ =	sdelay $0x3  }
0x36: {  	p1 =	seq.s32 s10, $0x1;
	s10 =	sld [smem:$0x3FB3];
	_ =	sdelay $0x3  }
0x37: {  	[smem:$0x3FB3] =	sst s10  }
0x38: {  	s10 =	sld [smem:$0x3FB4]  }
0x39: {  	_ = 	snop;
	(pc) =	sbr.ind lr, $3  }
0x3a: {  	_ = 	snop  }
0x3b: {  	_ = 	snop  }
0x3c: {  	p2 =	seq.s32 s10, $0x1;
	s10 =	sld [smem:$0x3FB3]  }
0x3d: {  	_ =	shalt  }
0x3e: {  	_ =	shalt  }
0x3f: {  	_ =	shalt  }
0x40: {  	_ =	shalt  }
0x41: {  	_ =	shalt  }
0x42: {  	_ =	shalt  }
0x43: {  	_ =	shalt  }
0x44: {  	_ =	shalt  }
0x45: {  	_ =	shalt  }
0x46: {  	_ =	shalt  }
0x47: {  	_ =	shalt  }
0x48: {  	_ =	shalt  }
0x49: {  	_ =	shalt  }
0x4a: {  	_ =	shalt  }
0x4b: {  	_ =	shalt  }
0x4c: {  	_ =	shalt  }
0x4d: {  	_ =	shalt  }
0x4e: {  	_ =	shalt  }
0x4f: {  	_ =	shalt  }
0x50: {  	_ =	shalt  }
0x51: {  	_ =	shalt  }
0x52: {  	_ =	shalt  }
0x53: {  	_ =	shalt  }
0x54: {  	_ =	shalt  }
0x55: {  	_ =	shalt  }
0x56: {  	_ =	shalt  }
0x57: {  	_ =	shalt  }
0x58: {  	_ =	shalt  }
0x59: {  	_ =	shalt  }
0x5a: {  	_ =	shalt  }
0x5b: {  	_ =	shalt  }
0x5c: {  	_ =	shalt  }
0x5d: {  	_ =	shalt  }
0x5e: {  	_ =	shalt  }
0x5f: {  	_ =	shalt  }
0x60: {  	_ =	shalt  }
0x61: {  	_ =	shalt  }
0x62: {  	_ =	shalt  }
0x63: {  	_ =	shalt  }
0x64: {  	_ =	shalt  }
0x65: {  	_ =	shalt  }
0x66: {  	_ =	shalt  }
0x67: {  	_ =	shalt  }
0x68: {  	_ =	shalt  }
0x69: {  	_ =	shalt  }
0x6a: {  	_ =	shalt  }
0x6b: {  	_ =	shalt  }
0x6c: {  	_ =	shalt  }
0x6d: {  	_ =	shalt  }
0x6e: {  	_ =	shalt  }
0x6f: {  	_ =	shalt  }
0x70: {  	_ =	shalt  }
0x71: {  	_ =	shalt  }
0x72: {  	_ =	shalt  }
0x73: {  	_ =	shalt  }
0x74: {  	_ =	shalt  }
0x75: {  	_ =	shalt  }
0x76: {  	_ =	shalt  }
0x77: {  	_ =	shalt  }
0x78: {  	_ =	shalt  }
0x79: {  	_ =	shalt  }
0x7a: {  	_ =	shalt  }
0x7b: {  	_ =	shalt  }
0x7c: {  	_ =	shalt  }
0x7d: {  	_ =	shalt  }
0x7e: {  	_ =	shalt  }
0x7f: {  	_ =	shalt  }
0x80: {  	_ =	shalt  }
0x81: {  	_ =	shalt  }
0x82: {  	_ =	shalt  }
0x83: {  	_ =	shalt  }
0x84: {  	_ =	shalt  }
0x85: {  	_ =	shalt  }
0x86: {  	_ =	shalt  }
0x87: {  	_ =	shalt  }
.Lfunc_end0:
.L_simem_size_0:
called_computation_lowered:
.L_overlay_start_0:
0x88: {  	s2 =	sld [smem:$0x3FD9]  }
0x89: {  	s3 =	sld [smem:$0x3FFE];
	_ =	sdelay $0x1  }
0x8a: {  	s1 =	srdreg.scid  }
0x8b: {  	s0 =	sand.u32 $0x1, s1  }
0x8c: {  	s14 =	sshll.u32 s0, $0xA;
	s2 =	sadd.s32 s3, s2  }
0x8d: {  	s2 =	sadd.s32 s2, s14  }
0x8e: {  	[smem:$0x3FBF] =	sst s2  }
0x8f: {  	_ = 	snop  }
0x90: {  	s2 =	sld [smem:$0x3FD0];
	_ =	sdelay $0x2  }
0x91: {  	s15 =	simm.s32 $0xA;
	s4 =	simm.s32 $0x10  }
0x92: {  	[smem:s4], [sflag:s15] =	dma.local [hbm:s2], $0x1  }
0x93: {  	_ =	swait.eq [sflag:s15], $0x1  }
0x94: {  	[sflag:s15] =	ssyncset.done $0x0  }
0x95: {  	s16 =	sld [smem:$0x12];
	[sflag:s15] =	ssyncadd.s32 $0xFFFFFFFF  }
0x96: {  	s17 =	sld [smem:$0x13];
	(tm) =	ssettm $0x1  }
0x97: {  	s18 =	sld [smem:$0x3FFB];
	_ =	sdelay $0x3  }
0x98: {  	_ =	strace s18  }
0x99: {  	s4 =	sld [smem:$0x3FFC];
	_ =	sdelay $0x3  }
0x9a: {  	_ =	strace s4  }
0x9b: {  	s4 =	sld [smem:$0x3FFD];
	_ =	sdelay $0x3  }
0x9c: {  	_ =	strace s4  }
0x9d: {  	_ =	strace $0x8FFFFFFF  }
0x9e: {  	s19 =	sld [smem:$0x3FDB];
	_ =	sdelay $0x1  }
0x9f: {  	s5 =	simm.s32 $_scs_section_size  }
0xa0: {  	s6 =	simm.s32 $_size__tile_overlayer_lowered;
	s7 =	simm.s32 $_tile_overlayer_lowered  }
0xa1: {  	s22 =	simm.s32 $0x1BFF;
	s21 =	sshll.u32 s7, $0x1;
	s4 =	sadd.s32 s5, s19  }
0xa2: {  	s8 =	simm.s32 $0x0;
	s20 =	sshll.u32 s6, $0x1;
	s6 =	sadd.s32 s21, s4  }
0xa3: {  	[timem:s8], [sflag:s22] =	dma.local [hbm:s6], s20  }
0xa4: {  	_ =	swait.ge [sflag:s22], s20  }
0xa5: {  	s5 =	ssub.s32 $0x0, s20;
	[sflag:s22] =	ssyncset.done $0x0  }
0xa6: {  	[sflag:s22] =	ssyncadd.s32 s5;
	_ =	sdelay $0x1  }
0xa7: {  	s23 =	simm.s32 $0x1B8B  }
0xa8: {  	_ =	swait.ge [sflag:s23], $0x1  }
0xa9: {  	[sflag:s23] =	ssyncset.done $0x0  }
0xaa: {  	s25 =	simm.s32 $0x1B8E;
	s24 =	sld [smem:$0x3FFE];
	[sflag:s23] =	ssyncadd.s32 $0xFFFFFFFF  }
0xab: {  	s26 =	simm.s32 $execute0_lowered;
	[smem:$0x3FD2] =	sst s25  }
0xac: {  	s6 =	sshll.u32 s26, $0x1;
	_ =	strace $0x80000046;
	[dreg:$0x1] =	wrdreg $0xFFFFFFFF  }
0xad: {  	s28 =	simm.s32 $_size_execute0_lowered;
	s4 =	sadd.s32 s4, s6;
	[dreg:$0x0] =	wrdreg $0x0  }
0xae: {  	s6 =	sshll.u32 s28, $0x1;
	[dreg:$0x2] =	wrdreg s4  }
0xaf: {  	[dreg:$0x3] =	wrdreg s6  }
0xb0: {  	[dreg:$0x4] =	wrdreg $0xC0  }
0xb1: {  	_ =	task [dreg:s8], $0x5FFFF  }
0xb2: {  	[dreg:$0x1] =	wrdreg $0xFFFFFFFF  }
0xb3: {  	[dreg:$0x0] =	wrdreg $0x60  }
0xb4: {  	[dreg:$0x2] =	wrdreg s16  }
0xb5: {  	[dreg:$0x3] =	wrdreg s24  }
0xb6: {  	[dreg:$0x4] =	wrdreg s17  }
0xb7: {  	[dreg:$0x5] =	wrdreg $0x9  }
0xb8: {  	_ =	task.clear_ibuf [dreg:s8], $0x6FFFF;
	_ =	strace $0x90000046  }
0xb9: {  	s29 =	simm.s32 $0x9;
	_ =	strace $0x80000048  }
0xba: {  	_ =	swait.ge [sflag:s29], $0x1  }
0xbb: {  	[sflag:s29] =	ssyncadd.s32 $0xFFFFFFFF  }
0xbc: {  	_ =	strace $0x90000048  }
0xbd: {  	_ =	sfence  }
0xbe: {  	s30 =	sld [smem:$0x0];
	_ =	sdelay $0x2  }
0xbf: {  	s31 =	sshll.u32 s1, $0xD;
	s1 =	sshrl.u32 s1, $0x2  }
0xc0: {  	s3 =	sand.u32 $0x4000, s31;
	s1 =	sadd.s32 s1, s30  }
0xc1: {  	s0 =	sor.u32 s3, s0;
	s1 =	sshll.u32 s1, $0x11  }
0xc2: {  	s0 =	sor.u32 s1, s0  }
0xc3: {  	s0 =	sadd.s32 $0x8F2B, s0  }
0xc4: {  	[sflag:s0] =	ssyncadd.remote.s32 $0x1  }
0xc5: {  	_ =	sfence.sel $0xFFFF  }
0xc6: {  	[dreg:$0x0] =	wrdreg $0xFFFFFFFF;
	(pc) =	sbr.abs _section_cstart, $3  }
0xc7: {  	[dreg:$0x1] =	wrdreg $0xFFFFFFFF  }
0xc8: {  	_ =	task.clear_ibuf [dreg:s8], $0x2FFFF;
	_ =	strace $0x9FFFFFFF  }
0xc9: {  	(tm) =	ssettm $0x7FFFFFFF  }
tec
execute0_lowered:
.L_overlay_start_1:
0x0: {  	(tag) =	ssettag $0x1  }
0x1: {  	s1 =	rddreg [dreg:$0x0]  }
0x2: {  	s11 =	rddreg [dreg:$0x1]  }
0x3: {  	s12 =	rddreg [dreg:$0x2]  }
0x4: {  	s0 =	rddreg [dreg:$0x3];
	s3 =	simm.s32 $0x0;
	s4 =	srdreg.scid  }
0x5: {  	s2 =	stileid.u32;
	[smem:$0x7FF] =	sst s3  }
0x6: {  	s4 =	sand.u32 $0x1, s4;
	s5 =	sshll.u32 s2, $0x1;
	s9 =	sadd.s32 $0x105A00, s11  }
0x7: {  	s7 =	sadd.s32 $0x1A00, s11;
	s10 =	sadd.s32 $0x7A00, s11;
	_ =	strace $0x80000047  }
0x8: {  	s6 =	ssub.s32 $0x2, s4;
	s13 =	sor.u32 s4, s5;
	s4 =	sadd.s32 $0x101A00, s11  }
0x9: {  	s29 =	sshrl.u32 s6, $0x1;
	s8 =	sshll.u32 s13, $0xF;
	p0 =	sne.s32 s13, $0x0  }
0xa: {  	s13 =	sshll.u32 s13, $0x8;
	s14 =	ssub.s32 s6, s29;
	s30 =	sor.u32 $0x2000, s8  }
0xb: {  	s5 =	sadd.s32 s7, s8;
	s15 =	sadd.s32 s4, s8;
	s31 =	sor.u32 $0x4000, s8  }
0xc: {  	s8 =	sor.u32 $0x6000, s8;
	s6 =	sadd.s32 $0x2000, s1;
	s12 =	sadd.s32 s12, s13  }
0xd: {  	s16 =	sadd.s32 s7, s30;
	s17 =	sadd.s32 s4, s30;
	s18 =	sadd.s32 s7, s31  }
0xe: {  	s19 =	sadd.s32 s4, s31;
	s20 =	sadd.s32 s7, s8;
	s21 =	sadd.s32 s4, s8  }
.Ltmp0:
0xf: {  	s7 =	sadd.s32 $0x103A00, s11;
	s8 =	sadd.s32 $0x5A00, s11;
	(pc) =	sbr.rel .LBB2_1-.Ltmp0, $4  }
0x10: {  	s11 =	sadd.s32 $0x107A00, s11;
	s4 =	smov.u32 @p0 s15;
	s13 =	smax.u32 s14, $0x1  }
0x11: {  	s14 =	simm.s32 $0x1;
	s15 =	simm.s32 $0x10000;
	s6 =	smov.u32 @p0 s16  }
0x12: {  	s7 =	smov.u32 @p0 s17;
	s8 =	smov.u32 @p0 s18;
	s9 =	smov.u32 @p0 s19  }
0x13: {  	v0 =	vimm.f32 $1.000000000e+00;
	v1 =	vimm.f32 $0.0e+00;
	s10 =	smov.u32 @p0 s20;
	s11 =	smov.u32 @p0 s21;
	s16 =	simm.s32 $0x0  }
.LBB2_6:
0x14: {  	[tilespmem:s18+$0x10000] =	vst v1  }
.LBB2_7:
0x15: {  	s16 =	sadd.s32 $0x1, s16  }
0x16: {  	p1 =	sne.s32 s16, s13  }
.Ltmp1:
0x17: {  	_ = 	snop;
	(pc) =	sbr.rel @!p1 .LBB2_8-.Ltmp1, $4  }
0x18: {  	[hbm4b:s12+s3] =	stream.linear.scatter [tilespmem:s15], [sflag:$0x1], $0x800, $0x38;
	[tilespmem:$0x10800] =	vst v63  }
0x19: {  	_ =	swait.ge [sflag:s14], $0x800  }
0x1a: {  	[sflag:s14] =	ssyncset.done $0x0  }
0x1b: {  	[sflag:s14] =	ssyncadd.s32 $0xFFFFF800  }
.LBB2_1:
0x1c: {  	s17 =	simm.s32 @p0 $0x0  }
0x1d: {  	[tilespmem:s17], [sflag:$0x1] =	stream.linear.gather @p0 [hbm4b:s5+s17], $0x10000, $0x38;
	[tilespmem:$0x10800] =	vst v63  }
0x1e: {  	s17 =	simm.s32 @p0 $0x1  }
0x1f: {  	_ =	swait.ge @p0 [sflag:s17], $0x10000  }
0x20: {  	[sflag:s17] =	ssyncset.done @p0 $0x0  }
0x21: {  	[sflag:s17] =	ssyncadd.s32 @p0 $0xFFFF0000;
	s17 =	simm.s32 @!p0 $0x0  }
0x22: {  	[tilespmem:s17], [sflag:$0x1] =	stream.linear.gather @!p0 [hbm4b:s1+s17], $0x10000, $0x38;
	[tilespmem:$0x10800] =	vst v63  }
0x23: {  	s17 =	simm.s32 @!p0 $0x1  }
0x24: {  	_ =	swait.ge @!p0 [sflag:s17], $0x10000  }
0x25: {  	[sflag:s17] =	ssyncset.done @!p0 $0x0  }
0x26: {  	[sflag:s17] =	ssyncadd.s32 @!p0 $0xFFFF0000  }
0x27: {  	[hbm4b:s4+s3] =	stream.linear.scatter [tilespmem:s3], [sflag:$0x1], $0x10000, $0x38;
	[tilespmem:$0x10800] =	vst v63  }
0x28: {  	_ =	swait.ge [sflag:s14], $0x10000  }
0x29: {  	[sflag:s14] =	ssyncset.done $0x0  }
0x2a: {  	[sflag:s14] =	ssyncadd.s32 $0xFFFF0000  }
0x2b: {  	[tilespmem:s3], [sflag:$0x1] =	stream.linear.gather [hbm4b:s6+s3], $0x10000, $0x38;
	[tilespmem:$0x10800] =	vst v63  }
0x2c: {  	_ =	swait.ge [sflag:s14], $0x10000  }
0x2d: {  	[sflag:s14] =	ssyncset.done $0x0  }
0x2e: {  	[sflag:s14] =	ssyncadd.s32 $0xFFFF0000  }
0x2f: {  	[hbm4b:s7+s3] =	stream.linear.scatter [tilespmem:s3], [sflag:$0x1], $0x10000, $0x38;
	[tilespmem:$0x10800] =	vst v63  }
0x30: {  	_ =	swait.ge [sflag:s14], $0x10000  }
0x31: {  	[sflag:s14] =	ssyncset.done $0x0  }
0x32: {  	[sflag:s14] =	ssyncadd.s32 $0xFFFF0000  }
0x33: {  	[tilespmem:s3], [sflag:$0x1] =	stream.linear.gather [hbm4b:s8+s3], $0x10000, $0x38;
	[tilespmem:$0x10800] =	vst v63  }
0x34: {  	_ =	swait.ge [sflag:s14], $0x10000  }
0x35: {  	[sflag:s14] =	ssyncset.done $0x0  }
0x36: {  	[sflag:s14] =	ssyncadd.s32 $0xFFFF0000  }
0x37: {  	[hbm4b:s9+s3] =	stream.linear.scatter [tilespmem:s3], [sflag:$0x1], $0x10000, $0x38;
	[tilespmem:$0x10800] =	vst v63  }
0x38: {  	_ =	swait.ge [sflag:s14], $0x10000  }
0x39: {  	[sflag:s14] =	ssyncset.done $0x0  }
0x3a: {  	[sflag:s14] =	ssyncadd.s32 $0xFFFF0000  }
0x3b: {  	[tilespmem:s3], [sflag:$0x1] =	stream.linear.gather [hbm4b:s10+s3], $0x10000, $0x38;
	[tilespmem:$0x10800] =	vst v63  }
0x3c: {  	_ =	swait.ge [sflag:s14], $0x10000  }
0x3d: {  	[sflag:s14] =	ssyncset.done $0x0  }
0x3e: {  	[sflag:s14] =	ssyncadd.s32 $0xFFFF0000  }
0x3f: {  	[hbm4b:s11+s3] =	stream.linear.scatter [tilespmem:s3], [sflag:$0x1], $0x10000, $0x38;
	[tilespmem:$0x10800] =	vst v63  }
0x40: {  	_ =	swait.ge [sflag:s14], $0x10000  }
0x41: {  	[sflag:s14] =	ssyncset.done $0x0  }
0x42: {  	s18 =	simm.s32 $0x0;
	s17 =	simm.s32 $0x40;
	[sflag:s14] =	ssyncadd.s32 $0xFFFF0000  }
.LBB2_2:
0x43: {  	p1 =	sne.s32 s17, $0x1FC0;
	[tilespmem:s18+$0x10000] =	vst v0;
	s18 =	smov.u32 s17;
	s17 =	sadd.s32 $0x40, s17  }
.Ltmp2:
0x44: {  	(pc) =	sbr.rel @p1 .LBB2_2-.Ltmp2, $2  }
0x45: {  	_ =	sdelay $0x2  }
0x46: {  	s18 =	sshra.s32 s18, $0x2  }
.Ltmp3:
0x47: {  	(pc) =	sbr.rel @p0 .LBB2_7-.Ltmp3, $2  }
0x48: {  	_ =	sdelay $0x2  }
0x49: {  	[tilespmem:s18+$0x10000] =	vst v0  }
0x4a: {  	s17 =	simm.s32 $0x40;
	s18 =	simm.s32 $0x0  }
.LBB2_5:
0x4b: {  	p1 =	sne.s32 s17, $0xFC0;
	[tilespmem:s18+$0x10000] =	vst v1;
	s18 =	smov.u32 s17;
	s17 =	sadd.s32 $0x40, s17  }
.Ltmp4:
0x4c: {  	(pc) =	sbr.rel @p1 .LBB2_5-.Ltmp4, $2  }
0x4d: {  	_ =	sdelay $0x2  }
0x4e: {  	s18 =	sshra.s32 s18, $0x2  }
.Ltmp5:
0x4f: {  	_ = 	snop;
	(pc) =	sbr.rel .LBB2_6-.Ltmp5, $1  }
0x50: {  	_ =	sdelay $0x3  }
.LBB2_8:
0x51: {  	_ =	sfence.sel $0x180000  }
0x52: {  	[bflag:$0x0] =	sbarrier.arrive $0xFFFF  }
0x53: {  	p0 =	sne.s32 s2, $0x0;
	_ =	strace $0x90000047  }
0x54: {  	s0 =	sadd.s32 @!p0 $0x100000, s0;
	[bflag:$0x2] =	sbarrier.arrive $0xFFFF  }
0x55: {  	[sflag:s0] =	ssyncadd.tile.s32 @!p0 $0x1;
	_ =	shalt  }
.Lfunc_end2:
_tile_overlayer_lowered:
.L_overlay_start_2:
0x56: {  	(tag) =	ssettag $0x2  }
0x57: {  	s0 =	rddreg [dreg:$0x0];
	s2 =	stileid.u32  }
0x58: {  	s1 =	rddreg [dreg:$0x1];
	p0 =	sne.s32 s2, $0x0  }
0x59: {  	s3 =	rddreg [dreg:$0x2];
	[bflag:$0x3] =	sbarrier.arrive $0xFFFF;
	s2 =	simm.s32 @!p0 $0x1C01  }
0x5a: {  	[timem:s3], [sflag:s2] =	dma.local @!p0 [hbm:s0], s1  }
0x5b: {  	s0 =	simm.s32 @!p0 $0x1  }
0x5c: {  	_ =	swait.ge @!p0 [sflag:s0], s1  }
0x5d: {  	s1 =	ssub.s32 @!p0 $0x0, s1;
	[sflag:s0] =	ssyncset.done @!p0 $0x0  }
0x5e: {  	[sflag:s0] =	ssyncadd.s32 @!p0 s1  }
0x5f: {  	[bflag:$0x3] =	sbarrier.arrive $0xFFFF  }
0x60: {  	_ =	shalt  }

</sc_bundles>
